<compile_context>
chip_gen: v7x
topology: tpu7x:2x2x1
jax: 0.10.2.dev20260603
libtpu: 0.0.44.dev20260713+nightly
codegen_flags: <defaults>
</compile_context>

<pallas_src>
import functools

import jax
import jax.numpy as jnp
from jax import lax
from jax.experimental import pallas as pl
from jax.experimental.pallas import tpu as pltpu
from jax.experimental.pallas import tpu_sc as plsc

_CUT0 = 20000
_CUT1 = 60000
_VOCAB = 100000

_NC = 2
_NS = 16
_NW = _NC * _NS



def _proj_body(x_ref, p1_ref, p2_ref, o1_ref, o2_ref):
    o1_ref[...] = jnp.dot(x_ref[...], p1_ref[...],
                          preferred_element_type=jnp.float32)
    o2_ref[...] = jnp.dot(x_ref[...], p2_ref[...],
                          preferred_element_type=jnp.float32)


def _tail_proj(x, proj1, proj2, rb):
    n, d = x.shape
    p1 = proj1.shape[1]
    p2 = proj2.shape[1]
    return pl.pallas_call(
        _proj_body,
        grid=(n // rb,),
        in_specs=[
            pl.BlockSpec((rb, d), lambda i: (i, 0)),
            pl.BlockSpec((d, p1), lambda i: (0, 0)),
            pl.BlockSpec((d, p2), lambda i: (0, 0)),
        ],
        out_specs=[
            pl.BlockSpec((rb, p1), lambda i: (i, 0)),
            pl.BlockSpec((rb, p2), lambda i: (i, 0)),
        ],
        out_shape=[jax.ShapeDtypeStruct((n, p1), jnp.float32),
                   jax.ShapeDtypeStruct((n, p2), jnp.float32)],
    )(x, proj1, proj2)



def _flash_nll_body(x_ref, proj_ref, w_ref, b_ref, tgt_ref, cnt_ref, out_ref,
                    ph, m, s, t, *, rb, cb, ncb, head):
    j = pl.program_id(0)
    i = pl.program_id(1)
    rows = pl.ds(i * rb, rb)
    active = (i * rb) < cnt_ref[0]

    @pl.when(active)
    def _step():
        @pl.when(j == 0)
        def _init():
            if head:
                ph[rows, :] = jnp.dot(x_ref[...], proj_ref[...],
                                      preferred_element_type=jnp.float32)
            else:
                ph[rows, :] = x_ref[...]
            m[rows, :] = jnp.full((rb, 1), -1e30, jnp.float32)
            s[rows, :] = jnp.zeros((rb, 1), jnp.float32)
            t[rows, :] = jnp.zeros((rb, 1), jnp.float32)

        tcol = tgt_ref[:, :1]
        if head:
            idx = jnp.where(tcol >= _CUT1, _CUT0,
                            jnp.where(tcol >= _CUT0, _CUT0 + 1, tcol))
        else:
            idx = tcol

        logits = jax.lax.dot_general(
            ph[rows, :], w_ref[...], (((1,), (1,)), ((), ())),
            preferred_element_type=jnp.float32)
        logits = logits + b_ref[0, :, :]
        col_ids = j * cb + jax.lax.broadcasted_iota(jnp.int32, logits.shape, 1)

        t[rows, :] += jnp.sum(jnp.where(col_ids == idx, logits, 0.0),
                              axis=1, keepdims=True)
        bm = jnp.max(logits, axis=1, keepdims=True)
        m_new = jnp.maximum(m[rows, :], bm)
        s[rows, :] = (s[rows, :] * jnp.exp(m[rows, :] - m_new)
                      + jnp.sum(jnp.exp(logits - m_new), axis=1,
                                keepdims=True))
        m[rows, :] = m_new

        @pl.when(j == ncb - 1)
        def _finish():
            out_ref[rows, :] = (m[rows, :] + jnp.log(s[rows, :])) - t[rows, :]


def _cluster_nll(x, proj, wp, bp, tgtb, cnt, *, cb, ncb, head, rb):
    n, d = x.shape
    p = proj.shape[1] if head else d
    nrb = n // rb

    body = functools.partial(_flash_nll_body, rb=rb, cb=cb, ncb=ncb,
                             head=head)
    out = pl.pallas_call(
        body,
        grid=(ncb, nrb),
        in_specs=[
            pl.BlockSpec((rb, d),
                         lambda j, i: (jnp.where(j == 0, i, 0), 0)),
            pl.BlockSpec((d, proj.shape[1]), lambda j, i: (0, 0)),
            pl.BlockSpec((cb, p), lambda j, i: (j, 0)),
            pl.BlockSpec((1, 1, cb), lambda j, i: (j, 0, 0)),
            pl.BlockSpec((rb, 128), lambda j, i: (i, 0)),
            pl.BlockSpec(memory_space=pltpu.SMEM),
        ],
        out_specs=pl.BlockSpec((n, 1), lambda j, i: (0, 0)),
        out_shape=jax.ShapeDtypeStruct((n, 1), jnp.float32),
        scratch_shapes=[
            pltpu.VMEM((n, p), jnp.float32),
            pltpu.VMEM((n, 1), jnp.float32),
            pltpu.VMEM((n, 1), jnp.float32),
            pltpu.VMEM((n, 1), jnp.float32),
        ],
        compiler_params=pltpu.CompilerParams(
            vmem_limit_bytes=100 * 1024 * 1024),
    )(x, proj, wp, bp, tgtb, cnt)
    return out



def _sc_gather(ph1, ph2, ix1, ix2):
    n, d1 = ph1.shape
    d2 = ph2.shape[1]
    spw = n // _NW
    chunk = 128
    nch = spw // chunk
    mesh = plsc.VectorSubcoreMesh(core_axis_name="c", subcore_axis_name="s")

    @functools.partial(
        pl.kernel, mesh=mesh,
        out_type=[jax.ShapeDtypeStruct((n, d1), jnp.float32),
                  jax.ShapeDtypeStruct((n, d2), jnp.float32)],
        scratch_types=[
            pltpu.VMEM((spw,), jnp.int32),
            pltpu.VMEM((chunk, d1), jnp.float32),
            pltpu.VMEM((chunk, d1), jnp.float32),
            pltpu.VMEM((chunk, d2), jnp.float32),
            pltpu.VMEM((chunk, d2), jnp.float32),
            pltpu.SemaphoreType.DMA,
            pltpu.SemaphoreType.DMA,
        ],
    )
    def k(ph1_hbm, ph2_hbm, ix1_hbm, ix2_hbm, o1_hbm, o2_hbm,
          idx_v, a1_v, b1_v, a2_v, b2_v, sa, sb):
        wid = lax.axis_index("s") * _NC + lax.axis_index("c")
        base = wid * spw
        for (tab_hbm, ix_hbm, out_hbm, a_v, b_v) in (
                (ph1_hbm, ix1_hbm, o1_hbm, a1_v, b1_v),
                (ph2_hbm, ix2_hbm, o2_hbm, a2_v, b2_v)):
            pltpu.sync_copy(ix_hbm.at[pl.ds(base, spw)], idx_v)
            cp0 = pltpu.async_copy(
                tab_hbm.at[idx_v.at[pl.ds(0, chunk)]], a_v, sa)
            cp1 = pltpu.async_copy(
                tab_hbm.at[idx_v.at[pl.ds(chunk, chunk)]], b_v, sb)
            cp0.wait()
            pltpu.sync_copy(a_v, out_hbm.at[pl.ds(base, chunk)])
            cp1.wait()
            pltpu.sync_copy(b_v, out_hbm.at[pl.ds(base + chunk, chunk)])

    return k(ph1, ph2, ix1, ix2)



def _sc_nll_gather(nllt, pos):
    n2, w = nllt.shape
    n = pos.shape[0]
    spw = n // _NW
    chunk = 128
    nch = spw // chunk
    mesh = plsc.VectorSubcoreMesh(core_axis_name="c", subcore_axis_name="s")

    @functools.partial(
        pl.kernel, mesh=mesh,
        out_type=jax.ShapeDtypeStruct((n, w), jnp.float32),
        scratch_types=[
            pltpu.VMEM((spw,), jnp.int32),
            pltpu.VMEM((chunk, w), jnp.float32),
            pltpu.VMEM((chunk, w), jnp.float32),
            pltpu.SemaphoreType.DMA,
            pltpu.SemaphoreType.DMA,
        ],
    )
    def k(tab_hbm, pos_hbm, out_hbm, pos_v, a_v, b_v, sa, sb):
        wid = lax.axis_index("s") * _NC + lax.axis_index("c")
        base = wid * spw
        pltpu.sync_copy(pos_hbm.at[pl.ds(base, spw)], pos_v)
        bufs = (a_v, b_v)
        sems = (sa, sb)
        cps = []
        for c in range(nch):
            cps.append(pltpu.async_copy(
                tab_hbm.at[pos_v.at[pl.ds(c * chunk, chunk)]],
                bufs[c % 2], sems[c % 2]))
        for c in range(nch):
            cps[c].wait()
            pltpu.sync_copy(
                bufs[c % 2], out_hbm.at[pl.ds(base + c * chunk, chunk)])

    return k(nllt, pos)



def _combine_body(h_ref, g_ref, cl_ref, out_ref):
    cl = cl_ref[...]
    out_ref[...] = h_ref[...] + jnp.where(cl > 0, g_ref[...], 0.0)


def _combine(head2, g, clid2):
    n = head2.shape[0]
    return pl.pallas_call(
        _combine_body,
        out_shape=jax.ShapeDtypeStruct((n, 16), jnp.float32),
    )(head2, g, clid2)



def _pad_wb(w, b, cb):
    nv = w.shape[0]
    ncb = pl.cdiv(nv, cb)
    npad = ncb * cb - nv
    wp = jnp.concatenate([w, jnp.zeros((npad, w.shape[1]), w.dtype)], axis=0)
    bp = jnp.full((ncb * cb,), -1e30, jnp.float32).at[:nv].set(b)
    return wp, bp.reshape(ncb, 1, cb), ncb


def kernel(input, target, cluster_weight, cluster_bias, proj0, proj1, proj2,
           w0, b0, w1, b1, w2, b2):
    n = input.shape[0]
    rb = 256
    tgt = target.astype(jnp.int32)
    rows = jnp.arange(n, dtype=jnp.int32)

    m1 = (tgt >= _CUT0) & (tgt < _CUT1)
    m2 = tgt >= _CUT1
    pos1 = jnp.cumsum(m1.astype(jnp.int32)) - 1
    pos2 = jnp.cumsum(m2.astype(jnp.int32)) - 1
    cnt1 = jnp.sum(m1.astype(jnp.int32))
    cnt2 = jnp.sum(m2.astype(jnp.int32))
    ix1 = jnp.zeros((n,), jnp.int32).at[
        jnp.where(m1, pos1, n)].set(rows, mode="drop")
    ix2 = jnp.zeros((n,), jnp.int32).at[
        jnp.where(m2, pos2, n)].set(rows, mode="drop")
    slot = rows
    pos = jnp.where(m1, pos1, jnp.where(m2, pos2 + n, 0))
    clid = m1.astype(jnp.int32) + 2 * m2.astype(jnp.int32)

    d = input.shape[1]
    proj2p = jnp.concatenate(
        [proj2, jnp.zeros((d, 128 - proj2.shape[1]), jnp.float32)], axis=1)
    ph1, ph2 = _tail_proj(input, proj1, proj2p, rb)
    phc1, phc2 = _sc_gather(ph1, ph2, ix1, ix2)
    ctc1 = jnp.where(slot < cnt1, tgt[ix1] - _CUT0, -1)
    ctc2 = jnp.where(slot < cnt2, tgt[ix2] - _CUT1, -1)
    ct1b = jnp.broadcast_to(ctc1[:, None], (n, 128))
    ct2b = jnp.broadcast_to(ctc2[:, None], (n, 128))

    hw, hb, ncb_h = _pad_wb(jnp.concatenate([w0, cluster_weight], axis=0),
                            jnp.concatenate([b0, cluster_bias], axis=0), 1024)
    w1p, b1p, ncb_1 = _pad_wb(w1, b1, 2048)
    w2c = jnp.concatenate(
        [w2, jnp.zeros((w2.shape[0], 128 - w2.shape[1]), jnp.float32)],
        axis=1)
    w2p, b2p, ncb_2 = _pad_wb(w2c, b2, 2048)

    tgtb = jnp.broadcast_to(tgt[:, None], (n, 128))
    nfull = jnp.full((1,), n, jnp.int32)

    head = _cluster_nll(input, proj0, hw, hb, tgtb, nfull,
                        cb=1024, ncb=ncb_h, head=True, rb=rb)
    t1c = _cluster_nll(phc1, proj1, w1p, b1p, ct1b, cnt1.reshape(1),
                       cb=2048, ncb=ncb_1, head=False, rb=rb)
    t2c = _cluster_nll(phc2, proj2p, w2p, b2p, ct2b, cnt2.reshape(1),
                       cb=2048, ncb=ncb_2, head=False, rb=rb)

    nllt = jnp.broadcast_to(jnp.concatenate([t1c, t2c], axis=0), (2 * n, 128))
    g = _sc_nll_gather(nllt, pos)

    head2 = jnp.broadcast_to(head, (n, 16))
    clid2 = jnp.broadcast_to(clid[:, None], (n, 16))
    return _combine(head2, g[:, :16], clid2)[:, 0]

# --- scband reference (transcript-rebuilt; emitter-appended) ---
"""Pipeline reference for scband-projected-adaptive-log-softmax-31645319037261 (READ-ONLY COPY).

The authoritative reference and input builder live on the scoring server;
editing this copy changes nothing except your own understanding.
"""

import jax, jax.numpy as jnp
import numpy as np

VOCAB = 100000
SHORTLIST = 20000
N_CLUSTERS = 2


def setup_inputs(seed: int = 0) -> dict:
    key = jax.random.key(seed)
    ks = jax.random.split(key, 12)
    N, D = 8192, 1024
    inp = {
        "input": jax.random.normal(ks[0], (N, D), dtype=jnp.float32),
        "target": jax.random.randint(ks[1], (N,), 0, VOCAB, dtype=jnp.int64 if jax.config.jax_enable_x64 else jnp.int32).astype(jnp.int32),
        "cluster_weight": (jax.random.normal(ks[2], (N_CLUSTERS, D), dtype=jnp.float32) * 0.02),
        "cluster_bias": jnp.zeros((N_CLUSTERS,), dtype=jnp.float32),
        "proj0": (jax.random.normal(ks[3], (D, D), dtype=jnp.float32) * 0.02),
        "proj1": (jax.random.normal(ks[4], (D, 256), dtype=jnp.float32) * 0.02),
        "proj2": (jax.random.normal(ks[5], (D, 64), dtype=jnp.float32) * 0.02),
        "w0": (jax.random.normal(ks[6], (20000, D), dtype=jnp.float32) * 0.02),
        "b0": jnp.zeros((20000,), dtype=jnp.float32),
        "w1": (jax.random.normal(ks[7], (40000, 256), dtype=jnp.float32) * 0.02),
        "b1": jnp.zeros((40000,), dtype=jnp.float32),
        "w2": (jax.random.normal(ks[8], (40000, 64), dtype=jnp.float32) * 0.02),
        "b2": jnp.zeros((40000,), dtype=jnp.float32),
    }
    return inp


def reference(input, target, cluster_weight, cluster_bias, proj0, proj1, proj2, w0, b0, w1, b1, w2, b2):
    # ProjectedAdaptiveLogSoftmax.forward with div_value=4, cutoffs=[20000,60000,100000]
    N = input.shape[0]
    rows = jnp.arange(N)
    # head: shortlist weights + cluster weights appended
    head_w = jnp.concatenate([w0, cluster_weight], axis=0)  # [20002, D]
    head_b = jnp.concatenate([b0, cluster_bias], axis=0)    # [20002]
    # proj then linear: F.linear(h, proj.t()) == h @ proj ; F.linear(ph, W, b) == ph @ W.T + b
    ph = input @ proj0
    head_logits = ph @ head_w.T + head_b
    head_lp = jax.nn.log_softmax(head_logits, axis=1)
    # remap targets falling in tail clusters to their head cluster columns
    # cluster idx 0 ([20000,60000)) -> shortlist + n_clusters - 1 - 0 = 20001
    # cluster idx 1 ([60000,100000)) -> 20000
    m0 = (target >= 20000) & (target < 60000)
    m1 = (target >= 60000) & (target < VOCAB)
    head_idx = jnp.where(m0, 20001, target)
    head_idx = jnp.where(m1, 20000, head_idx)
    nll = -head_lp[rows, head_idx]
    # tail clusters: cross-entropy in each cluster, added at masked positions
    for (l, proj_i, w_i, b_i, m_i) in ((20000, proj1, w1, b1, m0), (60000, proj2, w2, b2, m1)):
        ct = jnp.where(m_i, target - l, 0)
        phc = input @ proj_i
        logits = phc @ w_i.T + b_i
        lp = jax.nn.log_softmax(logits, axis=1)
        cnll = -lp[rows, ct]
        nll = nll + jnp.where(m_i, cnll, 0.0)
    return nll

if __name__ == "__main__":
    import jax
    _d = setup_inputs()
    print(jax.jit(kernel)(*tuple(_d.values())))

</pallas_src>

<mosaic_0001>
#map = affine_map<(d0, d1) -> (0, 0)>
#map1 = affine_map<(d0, d1) -> (0)>
module attributes {stable_mosaic.version = 14 : i64} {
  func.func @k(%arg0: i32, %arg1: i32, %arg2: memref<8192x256xf32, #tpu.memory_space<hbm>>, %arg3: memref<8192x128xf32, #tpu.memory_space<hbm>>, %arg4: memref<8192xi32, #tpu.memory_space<hbm>>, %arg5: memref<8192xi32, #tpu.memory_space<hbm>>, %arg6: memref<8192x256xf32, #tpu.memory_space<hbm>>, %arg7: memref<8192x128xf32, #tpu.memory_space<hbm>>, %arg8: memref<256xi32, #tpu.memory_space<vmem>>, %arg9: memref<128x256xf32, #tpu.memory_space<vmem>>, %arg10: memref<128x256xf32, #tpu.memory_space<vmem>>, %arg11: memref<128x128xf32, #tpu.memory_space<vmem>>, %arg12: memref<128x128xf32, #tpu.memory_space<vmem>>, %arg13: memref<!tpu.dma_semaphore, #tpu.memory_space<semaphore_mem>>, %arg14: memref<!tpu.dma_semaphore, #tpu.memory_space<semaphore_mem>>) attributes {dimension_semantics = [#tpu.dimension_semantics<core_parallel>, #tpu.dimension_semantics<subcore_parallel>], iteration_bounds = array<i64: 2, 16>, scalar_prefetch = 0 : i64, scratch_operands = 7 : i64, tpu.core_type = #tpu.core_type<sc_vector_subcore>, window_params = [{transform_indices = #map}, {transform_indices = #map}, {transform_indices = #map1}, {transform_indices = #map1}, {transform_indices = #map}, {transform_indices = #map}]} {
    %mul3A = arith.constant 2 : i32
    %mul3A_0 = arith.muli %arg1, %mul3A : i32
    %add3A = arith.addi %mul3A_0, %arg0 : i32
    %mul3A_1 = arith.constant 256 : i32
    %mul3A_2 = arith.muli %add3A, %mul3A_1 : i32
    "tpu.region"() ({
      %run_scoped3A = tpu.sem_alloc : memref<!tpu.dma_semaphore, #tpu.memory_space<semaphore_mem>>
      %dma_start3A_45 = tpu.memref_slice %arg4[%mul3A_2] : memref<8192xi32, #tpu.memory_space<hbm>> -> memref<256xi32, #tpu.memory_space<hbm>>
      %dma_start3A_46 = tpu.memref_slice %arg4[%mul3A_2] : memref<8192xi32, #tpu.memory_space<hbm>> -> memref<256xi32, #tpu.memory_space<hbm>>
      tpu.enqueue_dma source(%dma_start3A_46 : memref<256xi32, #tpu.memory_space<hbm>>) target(%arg8 : memref<256xi32, #tpu.memory_space<vmem>>) target_semaphore(%run_scoped3A : memref<!tpu.dma_semaphore, #tpu.memory_space<semaphore_mem>>)
      %dma_wait3A_47 = tpu.memref_slice %arg4[%mul3A_2] : memref<8192xi32, #tpu.memory_space<hbm>> -> memref<256xi32, #tpu.memory_space<hbm>>
      %dma_wait3A_48 = tpu.memref_slice %arg4[%mul3A_2] : memref<8192xi32, #tpu.memory_space<hbm>> -> memref<256xi32, #tpu.memory_space<hbm>>
      tpu.wait_dma2 semaphore(%run_scoped3A : memref<!tpu.dma_semaphore, #tpu.memory_space<semaphore_mem>>) src(%dma_wait3A_48 : memref<256xi32, #tpu.memory_space<hbm>>) dst(%arg8 : memref<256xi32, #tpu.memory_space<vmem>>)
      tpu.yield
    }) : () -> ()
    %dma_start3A = arith.constant 0 : i32
    %dma_start3A_3 = tpu.memref_slice %arg8[%dma_start3A] : memref<256xi32, #tpu.memory_space<vmem>> -> memref<128xi32, #tpu.memory_space<vmem>>
    %dma_start3A_4 = arith.constant 0 : i32
    %dma_start3A_5 = arith.constant 0 : i32
    %dma_start3A_6 = tpu.memref_slice %arg2[%dma_start3A_4, %dma_start3A_5] : memref<8192x256xf32, #tpu.memory_space<hbm>> -> memref<8192x256xf32, #tpu.memory_space<hbm>>
    tpu.enqueue_indirect_dma source(%dma_start3A_6 : memref<8192x256xf32, #tpu.memory_space<hbm>>) target(%arg9 : memref<128x256xf32, #tpu.memory_space<vmem>>) offsets(%dma_start3A_3 : memref<128xi32, #tpu.memory_space<vmem>>) semaphore(%arg13 : memref<!tpu.dma_semaphore, #tpu.memory_space<semaphore_mem>>)
    %dma_start3A_7 = arith.constant 128 : i32
    %dma_start3A_8 = tpu.memref_slice %arg8[%dma_start3A_7] : memref<256xi32, #tpu.memory_space<vmem>> -> memref<128xi32, #tpu.memory_space<vmem>>
    %dma_start3A_9 = arith.constant 0 : i32
    %dma_start3A_10 = arith.constant 0 : i32
    %dma_start3A_11 = tpu.memref_slice %arg2[%dma_start3A_9, %dma_start3A_10] : memref<8192x256xf32, #tpu.memory_space<hbm>> -> memref<8192x256xf32, #tpu.memory_space<hbm>>
    tpu.enqueue_indirect_dma source(%dma_start3A_11 : memref<8192x256xf32, #tpu.memory_space<hbm>>) target(%arg10 : memref<128x256xf32, #tpu.memory_space<vmem>>) offsets(%dma_start3A_8 : memref<128xi32, #tpu.memory_space<vmem>>) semaphore(%arg14 : memref<!tpu.dma_semaphore, #tpu.memory_space<semaphore_mem>>)
    %dma_wait3A = arith.constant 0 : i32
    %dma_wait3A_12 = tpu.memref_slice %arg8[%dma_wait3A] : memref<256xi32, #tpu.memory_space<vmem>> -> memref<128xi32, #tpu.memory_space<vmem>>
    %dma_wait3A_13 = arith.constant 0 : i32
    %dma_wait3A_14 = arith.constant 0 : i32
    %dma_wait3A_15 = tpu.memref_slice %arg2[%dma_wait3A_13, %dma_wait3A_14] : memref<8192x256xf32, #tpu.memory_space<hbm>> -> memref<8192x256xf32, #tpu.memory_space<hbm>>
    tpu.wait_indirect_dma semaphore(%arg13 : memref<!tpu.dma_semaphore, #tpu.memory_space<semaphore_mem>>) src(%dma_wait3A_15 : memref<8192x256xf32, #tpu.memory_space<hbm>>) dst(%arg9 : memref<128x256xf32, #tpu.memory_space<vmem>>)
    "tpu.region"() ({
      %run_scoped3A = tpu.sem_alloc : memref<!tpu.dma_semaphore, #tpu.memory_space<semaphore_mem>>
      %dma_start3A_45 = arith.constant 0 : i32
      %dma_start3A_46 = tpu.memref_slice %arg6[%mul3A_2, %dma_start3A_45] : memref<8192x256xf32, #tpu.memory_space<hbm>> -> memref<128x256xf32, #tpu.memory_space<hbm>>
      %dma_start3A_47 = arith.constant 0 : i32
      %dma_start3A_48 = tpu.memref_slice %arg6[%mul3A_2, %dma_start3A_47] : memref<8192x256xf32, #tpu.memory_space<hbm>> -> memref<128x256xf32, #tpu.memory_space<hbm>>
      tpu.enqueue_dma source(%arg9 : memref<128x256xf32, #tpu.memory_space<vmem>>) target(%dma_start3A_48 : memref<128x256xf32, #tpu.memory_space<hbm>>) target_semaphore(%run_scoped3A : memref<!tpu.dma_semaphore, #tpu.memory_space<semaphore_mem>>)
      %dma_wait3A_49 = arith.constant 0 : i32
      %dma_wait3A_50 = tpu.memref_slice %arg6[%mul3A_2, %dma_wait3A_49] : memref<8192x256xf32, #tpu.memory_space<hbm>> -> memref<128x256xf32, #tpu.memory_space<hbm>>
      %dma_wait3A_51 = arith.constant 0 : i32
      %dma_wait3A_52 = tpu.memref_slice %arg6[%mul3A_2, %dma_wait3A_51] : memref<8192x256xf32, #tpu.memory_space<hbm>> -> memref<128x256xf32, #tpu.memory_space<hbm>>
      tpu.wait_dma2 semaphore(%run_scoped3A : memref<!tpu.dma_semaphore, #tpu.memory_space<semaphore_mem>>) src(%arg9 : memref<128x256xf32, #tpu.memory_space<vmem>>) dst(%dma_wait3A_52 : memref<128x256xf32, #tpu.memory_space<hbm>>)
      tpu.yield
    }) : () -> ()
    %dma_wait3A_16 = arith.constant 128 : i32
    %dma_wait3A_17 = tpu.memref_slice %arg8[%dma_wait3A_16] : memref<256xi32, #tpu.memory_space<vmem>> -> memref<128xi32, #tpu.memory_space<vmem>>
    %dma_wait3A_18 = arith.constant 0 : i32
    %dma_wait3A_19 = arith.constant 0 : i32
    %dma_wait3A_20 = tpu.memref_slice %arg2[%dma_wait3A_18, %dma_wait3A_19] : memref<8192x256xf32, #tpu.memory_space<hbm>> -> memref<8192x256xf32, #tpu.memory_space<hbm>>
    tpu.wait_indirect_dma semaphore(%arg14 : memref<!tpu.dma_semaphore, #tpu.memory_space<semaphore_mem>>) src(%dma_wait3A_20 : memref<8192x256xf32, #tpu.memory_space<hbm>>) dst(%arg10 : memref<128x256xf32, #tpu.memory_space<vmem>>)
    %add3A_21 = arith.constant 128 : i32
    %add3A_22 = arith.addi %mul3A_2, %add3A_21 : i32
    "tpu.region"() ({
      %run_scoped3A = tpu.sem_alloc : memref<!tpu.dma_semaphore, #tpu.memory_space<semaphore_mem>>
      %dma_start3A_45 = arith.constant 0 : i32
      %dma_start3A_46 = tpu.memref_slice %arg6[%add3A_22, %dma_start3A_45] : memref<8192x256xf32, #tpu.memory_space<hbm>> -> memref<128x256xf32, #tpu.memory_space<hbm>>
      %dma_start3A_47 = arith.constant 0 : i32
      %dma_start3A_48 = tpu.memref_slice %arg6[%add3A_22, %dma_start3A_47] : memref<8192x256xf32, #tpu.memory_space<hbm>> -> memref<128x256xf32, #tpu.memory_space<hbm>>
      tpu.enqueue_dma source(%arg10 : memref<128x256xf32, #tpu.memory_space<vmem>>) target(%dma_start3A_48 : memref<128x256xf32, #tpu.memory_space<hbm>>) target_semaphore(%run_scoped3A : memref<!tpu.dma_semaphore, #tpu.memory_space<semaphore_mem>>)
      %dma_wait3A_49 = arith.constant 0 : i32
      %dma_wait3A_50 = tpu.memref_slice %arg6[%add3A_22, %dma_wait3A_49] : memref<8192x256xf32, #tpu.memory_space<hbm>> -> memref<128x256xf32, #tpu.memory_space<hbm>>
      %dma_wait3A_51 = arith.constant 0 : i32
      %dma_wait3A_52 = tpu.memref_slice %arg6[%add3A_22, %dma_wait3A_51] : memref<8192x256xf32, #tpu.memory_space<hbm>> -> memref<128x256xf32, #tpu.memory_space<hbm>>
      tpu.wait_dma2 semaphore(%run_scoped3A : memref<!tpu.dma_semaphore, #tpu.memory_space<semaphore_mem>>) src(%arg10 : memref<128x256xf32, #tpu.memory_space<vmem>>) dst(%dma_wait3A_52 : memref<128x256xf32, #tpu.memory_space<hbm>>)
      tpu.yield
    }) : () -> ()
    "tpu.region"() ({
      %run_scoped3A = tpu.sem_alloc : memref<!tpu.dma_semaphore, #tpu.memory_space<semaphore_mem>>
      %dma_start3A_45 = tpu.memref_slice %arg5[%mul3A_2] : memref<8192xi32, #tpu.memory_space<hbm>> -> memref<256xi32, #tpu.memory_space<hbm>>
      %dma_start3A_46 = tpu.memref_slice %arg5[%mul3A_2] : memref<8192xi32, #tpu.memory_space<hbm>> -> memref<256xi32, #tpu.memory_space<hbm>>
      tpu.enqueue_dma source(%dma_start3A_46 : memref<256xi32, #tpu.memory_space<hbm>>) target(%arg8 : memref<256xi32, #tpu.memory_space<vmem>>) target_semaphore(%run_scoped3A : memref<!tpu.dma_semaphore, #tpu.memory_space<semaphore_mem>>)
      %dma_wait3A_47 = tpu.memref_slice %arg5[%mul3A_2] : memref<8192xi32, #tpu.memory_space<hbm>> -> memref<256xi32, #tpu.memory_space<hbm>>
      %dma_wait3A_48 = tpu.memref_slice %arg5[%mul3A_2] : memref<8192xi32, #tpu.memory_space<hbm>> -> memref<256xi32, #tpu.memory_space<hbm>>
      tpu.wait_dma2 semaphore(%run_scoped3A : memref<!tpu.dma_semaphore, #tpu.memory_space<semaphore_mem>>) src(%dma_wait3A_48 : memref<256xi32, #tpu.memory_space<hbm>>) dst(%arg8 : memref<256xi32, #tpu.memory_space<vmem>>)
      tpu.yield
    }) : () -> ()
    %dma_start3A_23 = arith.constant 0 : i32
    %dma_start3A_24 = tpu.memref_slice %arg8[%dma_start3A_23] : memref<256xi32, #tpu.memory_space<vmem>> -> memref<128xi32, #tpu.memory_space<vmem>>
    %dma_start3A_25 = arith.constant 0 : i32
    %dma_start3A_26 = arith.constant 0 : i32
    %dma_start3A_27 = tpu.memref_slice %arg3[%dma_start3A_25, %dma_start3A_26] : memref<8192x128xf32, #tpu.memory_space<hbm>> -> memref<8192x128xf32, #tpu.memory_space<hbm>>
    tpu.enqueue_indirect_dma source(%dma_start3A_27 : memref<8192x128xf32, #tpu.memory_space<hbm>>) target(%arg11 : memref<128x128xf32, #tpu.memory_space<vmem>>) offsets(%dma_start3A_24 : memref<128xi32, #tpu.memory_space<vmem>>) semaphore(%arg13 : memref<!tpu.dma_semaphore, #tpu.memory_space<semaphore_mem>>)
    %dma_start3A_28 = arith.constant 128 : i32
    %dma_start3A_29 = tpu.memref_slice %arg8[%dma_start3A_28] : memref<256xi32, #tpu.memory_space<vmem>> -> memref<128xi32, #tpu.memory_space<vmem>>
    %dma_start3A_30 = arith.constant 0 : i32
    %dma_start3A_31 = arith.constant 0 : i32
    %dma_start3A_32 = tpu.memref_slice %arg3[%dma_start3A_30, %dma_start3A_31] : memref<8192x128xf32, #tpu.memory_space<hbm>> -> memref<8192x128xf32, #tpu.memory_space<hbm>>
    tpu.enqueue_indirect_dma source(%dma_start3A_32 : memref<8192x128xf32, #tpu.memory_space<hbm>>) target(%arg12 : memref<128x128xf32, #tpu.memory_space<vmem>>) offsets(%dma_start3A_29 : memref<128xi32, #tpu.memory_space<vmem>>) semaphore(%arg14 : memref<!tpu.dma_semaphore, #tpu.memory_space<semaphore_mem>>)
    %dma_wait3A_33 = arith.constant 0 : i32
    %dma_wait3A_34 = tpu.memref_slice %arg8[%dma_wait3A_33] : memref<256xi32, #tpu.memory_space<vmem>> -> memref<128xi32, #tpu.memory_space<vmem>>
    %dma_wait3A_35 = arith.constant 0 : i32
    %dma_wait3A_36 = arith.constant 0 : i32
    %dma_wait3A_37 = tpu.memref_slice %arg3[%dma_wait3A_35, %dma_wait3A_36] : memref<8192x128xf32, #tpu.memory_space<hbm>> -> memref<8192x128xf32, #tpu.memory_space<hbm>>
    tpu.wait_indirect_dma semaphore(%arg13 : memref<!tpu.dma_semaphore, #tpu.memory_space<semaphore_mem>>) src(%dma_wait3A_37 : memref<8192x128xf32, #tpu.memory_space<hbm>>) dst(%arg11 : memref<128x128xf32, #tpu.memory_space<vmem>>)
    "tpu.region"() ({
      %run_scoped3A = tpu.sem_alloc : memref<!tpu.dma_semaphore, #tpu.memory_space<semaphore_mem>>
      %dma_start3A_45 = arith.constant 0 : i32
      %dma_start3A_46 = tpu.memref_slice %arg7[%mul3A_2, %dma_start3A_45] : memref<8192x128xf32, #tpu.memory_space<hbm>> -> memref<128x128xf32, #tpu.memory_space<hbm>>
      %dma_start3A_47 = arith.constant 0 : i32
      %dma_start3A_48 = tpu.memref_slice %arg7[%mul3A_2, %dma_start3A_47] : memref<8192x128xf32, #tpu.memory_space<hbm>> -> memref<128x128xf32, #tpu.memory_space<hbm>>
      tpu.enqueue_dma source(%arg11 : memref<128x128xf32, #tpu.memory_space<vmem>>) target(%dma_start3A_48 : memref<128x128xf32, #tpu.memory_space<hbm>>) target_semaphore(%run_scoped3A : memref<!tpu.dma_semaphore, #tpu.memory_space<semaphore_mem>>)
      %dma_wait3A_49 = arith.constant 0 : i32
      %dma_wait3A_50 = tpu.memref_slice %arg7[%mul3A_2, %dma_wait3A_49] : memref<8192x128xf32, #tpu.memory_space<hbm>> -> memref<128x128xf32, #tpu.memory_space<hbm>>
      %dma_wait3A_51 = arith.constant 0 : i32
      %dma_wait3A_52 = tpu.memref_slice %arg7[%mul3A_2, %dma_wait3A_51] : memref<8192x128xf32, #tpu.memory_space<hbm>> -> memref<128x128xf32, #tpu.memory_space<hbm>>
      tpu.wait_dma2 semaphore(%run_scoped3A : memref<!tpu.dma_semaphore, #tpu.memory_space<semaphore_mem>>) src(%arg11 : memref<128x128xf32, #tpu.memory_space<vmem>>) dst(%dma_wait3A_52 : memref<128x128xf32, #tpu.memory_space<hbm>>)
      tpu.yield
    }) : () -> ()
    %dma_wait3A_38 = arith.constant 128 : i32
    %dma_wait3A_39 = tpu.memref_slice %arg8[%dma_wait3A_38] : memref<256xi32, #tpu.memory_space<vmem>> -> memref<128xi32, #tpu.memory_space<vmem>>
    %dma_wait3A_40 = arith.constant 0 : i32
    %dma_wait3A_41 = arith.constant 0 : i32
    %dma_wait3A_42 = tpu.memref_slice %arg3[%dma_wait3A_40, %dma_wait3A_41] : memref<8192x128xf32, #tpu.memory_space<hbm>> -> memref<8192x128xf32, #tpu.memory_space<hbm>>
    tpu.wait_indirect_dma semaphore(%arg14 : memref<!tpu.dma_semaphore, #tpu.memory_space<semaphore_mem>>) src(%dma_wait3A_42 : memref<8192x128xf32, #tpu.memory_space<hbm>>) dst(%arg12 : memref<128x128xf32, #tpu.memory_space<vmem>>)
    %add3A_43 = arith.constant 128 : i32
    %add3A_44 = arith.addi %mul3A_2, %add3A_43 : i32
    "tpu.region"() ({
      %run_scoped3A = tpu.sem_alloc : memref<!tpu.dma_semaphore, #tpu.memory_space<semaphore_mem>>
      %dma_start3A_45 = arith.constant 0 : i32
      %dma_start3A_46 = tpu.memref_slice %arg7[%add3A_44, %dma_start3A_45] : memref<8192x128xf32, #tpu.memory_space<hbm>> -> memref<128x128xf32, #tpu.memory_space<hbm>>
      %dma_start3A_47 = arith.constant 0 : i32
      %dma_start3A_48 = tpu.memref_slice %arg7[%add3A_44, %dma_start3A_47] : memref<8192x128xf32, #tpu.memory_space<hbm>> -> memref<128x128xf32, #tpu.memory_space<hbm>>
      tpu.enqueue_dma source(%arg12 : memref<128x128xf32, #tpu.memory_space<vmem>>) target(%dma_start3A_48 : memref<128x128xf32, #tpu.memory_space<hbm>>) target_semaphore(%run_scoped3A : memref<!tpu.dma_semaphore, #tpu.memory_space<semaphore_mem>>)
      %dma_wait3A_49 = arith.constant 0 : i32
      %dma_wait3A_50 = tpu.memref_slice %arg7[%add3A_44, %dma_wait3A_49] : memref<8192x128xf32, #tpu.memory_space<hbm>> -> memref<128x128xf32, #tpu.memory_space<hbm>>
      %dma_wait3A_51 = arith.constant 0 : i32
      %dma_wait3A_52 = tpu.memref_slice %arg7[%add3A_44, %dma_wait3A_51] : memref<8192x128xf32, #tpu.memory_space<hbm>> -> memref<128x128xf32, #tpu.memory_space<hbm>>
      tpu.wait_dma2 semaphore(%run_scoped3A : memref<!tpu.dma_semaphore, #tpu.memory_space<semaphore_mem>>) src(%arg12 : memref<128x128xf32, #tpu.memory_space<vmem>>) dst(%dma_wait3A_52 : memref<128x128xf32, #tpu.memory_space<hbm>>)
      tpu.yield
    }) : () -> ()
    return
  }
}

#map = affine_map<(d0, d1) -> (0, 0)>
#map1 = affine_map<(d0, d1) -> (0)>
module attributes {stable_mosaic.version = 14 : i64} {
  func.func @k(%arg0: i32, %arg1: i32, %arg2: memref<16384x128xf32, #tpu.memory_space<hbm>>, %arg3: memref<8192xi32, #tpu.memory_space<hbm>>, %arg4: memref<8192x128xf32, #tpu.memory_space<hbm>>, %arg5: memref<256xi32, #tpu.memory_space<vmem>>, %arg6: memref<128x128xf32, #tpu.memory_space<vmem>>, %arg7: memref<128x128xf32, #tpu.memory_space<vmem>>, %arg8: memref<!tpu.dma_semaphore, #tpu.memory_space<semaphore_mem>>, %arg9: memref<!tpu.dma_semaphore, #tpu.memory_space<semaphore_mem>>) attributes {dimension_semantics = [#tpu.dimension_semantics<core_parallel>, #tpu.dimension_semantics<subcore_parallel>], iteration_bounds = array<i64: 2, 16>, scalar_prefetch = 0 : i64, scratch_operands = 5 : i64, tpu.core_type = #tpu.core_type<sc_vector_subcore>, window_params = [{transform_indices = #map}, {transform_indices = #map1}, {transform_indices = #map}]} {
    %mul3A = arith.constant 2 : i32
    %mul3A_0 = arith.muli %arg1, %mul3A : i32
    %add3A = arith.addi %mul3A_0, %arg0 : i32
    %mul3A_1 = arith.constant 256 : i32
    %mul3A_2 = arith.muli %add3A, %mul3A_1 : i32
    "tpu.region"() ({
      %run_scoped3A = tpu.sem_alloc : memref<!tpu.dma_semaphore, #tpu.memory_space<semaphore_mem>>
      %dma_start3A_25 = tpu.memref_slice %arg3[%mul3A_2] : memref<8192xi32, #tpu.memory_space<hbm>> -> memref<256xi32, #tpu.memory_space<hbm>>
      %dma_start3A_26 = tpu.memref_slice %arg3[%mul3A_2] : memref<8192xi32, #tpu.memory_space<hbm>> -> memref<256xi32, #tpu.memory_space<hbm>>
      tpu.enqueue_dma source(%dma_start3A_26 : memref<256xi32, #tpu.memory_space<hbm>>) target(%arg5 : memref<256xi32, #tpu.memory_space<vmem>>) target_semaphore(%run_scoped3A : memref<!tpu.dma_semaphore, #tpu.memory_space<semaphore_mem>>)
      %dma_wait3A_27 = tpu.memref_slice %arg3[%mul3A_2] : memref<8192xi32, #tpu.memory_space<hbm>> -> memref<256xi32, #tpu.memory_space<hbm>>
      %dma_wait3A_28 = tpu.memref_slice %arg3[%mul3A_2] : memref<8192xi32, #tpu.memory_space<hbm>> -> memref<256xi32, #tpu.memory_space<hbm>>
      tpu.wait_dma2 semaphore(%run_scoped3A : memref<!tpu.dma_semaphore, #tpu.memory_space<semaphore_mem>>) src(%dma_wait3A_28 : memref<256xi32, #tpu.memory_space<hbm>>) dst(%arg5 : memref<256xi32, #tpu.memory_space<vmem>>)
      tpu.yield
    }) : () -> ()
    %dma_start3A = arith.constant 0 : i32
    %dma_start3A_3 = tpu.memref_slice %arg5[%dma_start3A] : memref<256xi32, #tpu.memory_space<vmem>> -> memref<128xi32, #tpu.memory_space<vmem>>
    %dma_start3A_4 = arith.constant 0 : i32
    %dma_start3A_5 = arith.constant 0 : i32
    %dma_start3A_6 = tpu.memref_slice %arg2[%dma_start3A_4, %dma_start3A_5] : memref<16384x128xf32, #tpu.memory_space<hbm>> -> memref<16384x128xf32, #tpu.memory_space<hbm>>
    tpu.enqueue_indirect_dma source(%dma_start3A_6 : memref<16384x128xf32, #tpu.memory_space<hbm>>) target(%arg6 : memref<128x128xf32, #tpu.memory_space<vmem>>) offsets(%dma_start3A_3 : memref<128xi32, #tpu.memory_space<vmem>>) semaphore(%arg8 : memref<!tpu.dma_semaphore, #tpu.memory_space<semaphore_mem>>)
    %dma_start3A_7 = arith.constant 128 : i32
    %dma_start3A_8 = tpu.memref_slice %arg5[%dma_start3A_7] : memref<256xi32, #tpu.memory_space<vmem>> -> memref<128xi32, #tpu.memory_space<vmem>>
    %dma_start3A_9 = arith.constant 0 : i32
    %dma_start3A_10 = arith.constant 0 : i32
    %dma_start3A_11 = tpu.memref_slice %arg2[%dma_start3A_9, %dma_start3A_10] : memref<16384x128xf32, #tpu.memory_space<hbm>> -> memref<16384x128xf32, #tpu.memory_space<hbm>>
    tpu.enqueue_indirect_dma source(%dma_start3A_11 : memref<16384x128xf32, #tpu.memory_space<hbm>>) target(%arg7 : memref<128x128xf32, #tpu.memory_space<vmem>>) offsets(%dma_start3A_8 : memref<128xi32, #tpu.memory_space<vmem>>) semaphore(%arg9 : memref<!tpu.dma_semaphore, #tpu.memory_space<semaphore_mem>>)
    %dma_wait3A = arith.constant 0 : i32
    %dma_wait3A_12 = tpu.memref_slice %arg5[%dma_wait3A] : memref<256xi32, #tpu.memory_space<vmem>> -> memref<128xi32, #tpu.memory_space<vmem>>
    %dma_wait3A_13 = arith.constant 0 : i32
    %dma_wait3A_14 = arith.constant 0 : i32
    %dma_wait3A_15 = tpu.memref_slice %arg2[%dma_wait3A_13, %dma_wait3A_14] : memref<16384x128xf32, #tpu.memory_space<hbm>> -> memref<16384x128xf32, #tpu.memory_space<hbm>>
    tpu.wait_indirect_dma semaphore(%arg8 : memref<!tpu.dma_semaphore, #tpu.memory_space<semaphore_mem>>) src(%dma_wait3A_15 : memref<16384x128xf32, #tpu.memory_space<hbm>>) dst(%arg6 : memref<128x128xf32, #tpu.memory_space<vmem>>)
    %add3A_16 = arith.constant 0 : i32
    %add3A_17 = arith.addi %mul3A_2, %add3A_16 : i32
    "tpu.region"() ({
      %run_scoped3A = tpu.sem_alloc : memref<!tpu.dma_semaphore, #tpu.memory_space<semaphore_mem>>
      %dma_start3A_25 = arith.constant 0 : i32
      %dma_start3A_26 = tpu.memref_slice %arg4[%add3A_17, %dma_start3A_25] : memref<8192x128xf32, #tpu.memory_space<hbm>> -> memref<128x128xf32, #tpu.memory_space<hbm>>
      %dma_start3A_27 = arith.constant 0 : i32
      %dma_start3A_28 = tpu.memref_slice %arg4[%add3A_17, %dma_start3A_27] : memref<8192x128xf32, #tpu.memory_space<hbm>> -> memref<128x128xf32, #tpu.memory_space<hbm>>
      tpu.enqueue_dma source(%arg6 : memref<128x128xf32, #tpu.memory_space<vmem>>) target(%dma_start3A_28 : memref<128x128xf32, #tpu.memory_space<hbm>>) target_semaphore(%run_scoped3A : memref<!tpu.dma_semaphore, #tpu.memory_space<semaphore_mem>>)
      %dma_wait3A_29 = arith.constant 0 : i32
      %dma_wait3A_30 = tpu.memref_slice %arg4[%add3A_17, %dma_wait3A_29] : memref<8192x128xf32, #tpu.memory_space<hbm>> -> memref<128x128xf32, #tpu.memory_space<hbm>>
      %dma_wait3A_31 = arith.constant 0 : i32
      %dma_wait3A_32 = tpu.memref_slice %arg4[%add3A_17, %dma_wait3A_31] : memref<8192x128xf32, #tpu.memory_space<hbm>> -> memref<128x128xf32, #tpu.memory_space<hbm>>
      tpu.wait_dma2 semaphore(%run_scoped3A : memref<!tpu.dma_semaphore, #tpu.memory_space<semaphore_mem>>) src(%arg6 : memref<128x128xf32, #tpu.memory_space<vmem>>) dst(%dma_wait3A_32 : memref<128x128xf32, #tpu.memory_space<hbm>>)
      tpu.yield
    }) : () -> ()
    %dma_wait3A_18 = arith.constant 128 : i32
    %dma_wait3A_19 = tpu.memref_slice %arg5[%dma_wait3A_18] : memref<256xi32, #tpu.memory_space<vmem>> -> memref<128xi32, #tpu.memory_space<vmem>>
    %dma_wait3A_20 = arith.constant 0 : i32
    %dma_wait3A_21 = arith.constant 0 : i32
    %dma_wait3A_22 = tpu.memref_slice %arg2[%dma_wait3A_20, %dma_wait3A_21] : memref<16384x128xf32, #tpu.memory_space<hbm>> -> memref<16384x128xf32, #tpu.memory_space<hbm>>
    tpu.wait_indirect_dma semaphore(%arg9 : memref<!tpu.dma_semaphore, #tpu.memory_space<semaphore_mem>>) src(%dma_wait3A_22 : memref<16384x128xf32, #tpu.memory_space<hbm>>) dst(%arg7 : memref<128x128xf32, #tpu.memory_space<vmem>>)
    %add3A_23 = arith.constant 128 : i32
    %add3A_24 = arith.addi %mul3A_2, %add3A_23 : i32
    "tpu.region"() ({
      %run_scoped3A = tpu.sem_alloc : memref<!tpu.dma_semaphore, #tpu.memory_space<semaphore_mem>>
      %dma_start3A_25 = arith.constant 0 : i32
      %dma_start3A_26 = tpu.memref_slice %arg4[%add3A_24, %dma_start3A_25] : memref<8192x128xf32, #tpu.memory_space<hbm>> -> memref<128x128xf32, #tpu.memory_space<hbm>>
      %dma_start3A_27 = arith.constant 0 : i32
      %dma_start3A_28 = tpu.memref_slice %arg4[%add3A_24, %dma_start3A_27] : memref<8192x128xf32, #tpu.memory_space<hbm>> -> memref<128x128xf32, #tpu.memory_space<hbm>>
      tpu.enqueue_dma source(%arg7 : memref<128x128xf32, #tpu.memory_space<vmem>>) target(%dma_start3A_28 : memref<128x128xf32, #tpu.memory_space<hbm>>) target_semaphore(%run_scoped3A : memref<!tpu.dma_semaphore, #tpu.memory_space<semaphore_mem>>)
      %dma_wait3A_29 = arith.constant 0 : i32
      %dma_wait3A_30 = tpu.memref_slice %arg4[%add3A_24, %dma_wait3A_29] : memref<8192x128xf32, #tpu.memory_space<hbm>> -> memref<128x128xf32, #tpu.memory_space<hbm>>
      %dma_wait3A_31 = arith.constant 0 : i32
      %dma_wait3A_32 = tpu.memref_slice %arg4[%add3A_24, %dma_wait3A_31] : memref<8192x128xf32, #tpu.memory_space<hbm>> -> memref<128x128xf32, #tpu.memory_space<hbm>>
      tpu.wait_dma2 semaphore(%run_scoped3A : memref<!tpu.dma_semaphore, #tpu.memory_space<semaphore_mem>>) src(%arg7 : memref<128x128xf32, #tpu.memory_space<vmem>>) dst(%dma_wait3A_32 : memref<128x128xf32, #tpu.memory_space<hbm>>)
      tpu.yield
    }) : () -> ()
    return
  }
}

module attributes {stable_mosaic.version = 14 : i64} {
  func.func @_proj_body(%arg0: i32, %arg1: memref<256x1024xf32, #tpu.memory_space<vmem>>, %arg2: memref<1024x256xf32, #tpu.memory_space<vmem>>, %arg3: memref<1024x128xf32, #tpu.memory_space<vmem>>, %arg4: memref<256x256xf32, #tpu.memory_space<vmem>>, %arg5: memref<256x128xf32, #tpu.memory_space<vmem>>) attributes {dimension_semantics = [#tpu.dimension_semantics<arbitrary>], iteration_bounds = array<i64: 32>, scalar_prefetch = 0 : i64, scratch_operands = 0 : i64, tpu.core_type = #tpu.core_type<tc>, window_params = [{transform_indices = @transform_0, window_bounds = array<i64: 256, 1024>}, {pipeline_mode = #tpu.pipeline_mode<synchronous>, transform_indices = @transform_1, window_bounds = array<i64: 1024, 256>}, {pipeline_mode = #tpu.pipeline_mode<synchronous>, transform_indices = @transform_2, window_bounds = array<i64: 1024, 128>}, {transform_indices = @transform_3, window_bounds = array<i64: 256, 256>}, {transform_indices = @transform_4, window_bounds = array<i64: 256, 128>}]} {
    %get3A = arith.constant 0 : index
    %get3A_0 = arith.constant 0 : index
    %get3A_1 = vector.load %arg1[%get3A, %get3A_0] : memref<256x1024xf32, #tpu.memory_space<vmem>>, vector<256x1024xf32>
    %get3A_2 = arith.constant 0 : index
    %get3A_3 = arith.constant 0 : index
    %get3A_4 = vector.load %arg2[%get3A_2, %get3A_3] : memref<1024x256xf32, #tpu.memory_space<vmem>>, vector<1024x256xf32>
    %dot_general3A = arith.constant dense<0.000000e+00> : vector<256x256xf32>
    %dot_general3A_5 = tpu.matmul %get3A_1, %get3A_4, %dot_general3A {dimension_numbers = #tpu.dot_dimension_numbers<[1], [0], [0], [1], [0, 0, 1, 1], [], []>, transpose_lhs_hint = false} : vector<256x1024xf32>, vector<1024x256xf32>, vector<256x256xf32> -> vector<256x256xf32>
    %swap3A = arith.constant 0 : index
    %swap3A_6 = arith.constant 0 : index
    %swap3A_7 = vector.load %arg4[%swap3A, %swap3A_6] : memref<256x256xf32, #tpu.memory_space<vmem>>, vector<256x256xf32>
    tpu.vector_store %arg4[%swap3A, %swap3A_6], %dot_general3A_5 {strides = array<i32>} : memref<256x256xf32, #tpu.memory_space<vmem>>, vector<256x256xf32>,
    %get3A_8 = arith.constant 0 : index
    %get3A_9 = arith.constant 0 : index
    %get3A_10 = vector.load %arg1[%get3A_8, %get3A_9] : memref<256x1024xf32, #tpu.memory_space<vmem>>, vector<256x1024xf32>
    %get3A_11 = arith.constant 0 : index
    %get3A_12 = arith.constant 0 : index
    %get3A_13 = vector.load %arg3[%get3A_11, %get3A_12] : memref<1024x128xf32, #tpu.memory_space<vmem>>, vector<1024x128xf32>
    %dot_general3A_14 = arith.constant dense<0.000000e+00> : vector<256x128xf32>
    %dot_general3A_15 = tpu.matmul %get3A_10, %get3A_13, %dot_general3A_14 {dimension_numbers = #tpu.dot_dimension_numbers<[1], [0], [0], [1], [0, 0, 1, 1], [], []>, transpose_lhs_hint = false} : vector<256x1024xf32>, vector<1024x128xf32>, vector<256x128xf32> -> vector<256x128xf32>
    %swap3A_16 = arith.constant 0 : index
    %swap3A_17 = arith.constant 0 : index
    %swap3A_18 = vector.load %arg5[%swap3A_16, %swap3A_17] : memref<256x128xf32, #tpu.memory_space<vmem>>, vector<256x128xf32>
    tpu.vector_store %arg5[%swap3A_16, %swap3A_17], %dot_general3A_15 {strides = array<i32>} : memref<256x128xf32, #tpu.memory_space<vmem>>, vector<256x128xf32>,
    return
  }
  func.func @transform_0(%arg0: i32) -> (i32, i32) {
    %c0_i32 = arith.constant 0 : i32
    %c0_i32_0 = arith.constant 0 : i32
    return %arg0, %c0_i32 : i32, i32
  }
  func.func @transform_1(%arg0: i32) -> (i32, i32) {
    %c0_i32 = arith.constant 0 : i32
    %c0_i32_0 = arith.constant 0 : i32
    %c0_i32_1 = arith.constant 0 : i32
    return %c0_i32, %c0_i32_0 : i32, i32
  }
  func.func @transform_2(%arg0: i32) -> (i32, i32) {
    %c0_i32 = arith.constant 0 : i32
    %c0_i32_0 = arith.constant 0 : i32
    %c0_i32_1 = arith.constant 0 : i32
    return %c0_i32, %c0_i32_0 : i32, i32
  }
  func.func @transform_3(%arg0: i32) -> (i32, i32) {
    %c0_i32 = arith.constant 0 : i32
    %c0_i32_0 = arith.constant 0 : i32
    return %arg0, %c0_i32 : i32, i32
  }
  func.func @transform_4(%arg0: i32) -> (i32, i32) {
    %c0_i32 = arith.constant 0 : i32
    %c0_i32_0 = arith.constant 0 : i32
    return %arg0, %c0_i32 : i32, i32
  }
}

module attributes {stable_mosaic.version = 14 : i64} {
  func.func @_flash_nll_body(%arg0: i32, %arg1: i32, %arg2: memref<256x128xf32, #tpu.memory_space<vmem>>, %arg3: memref<128x128xf32, #tpu.memory_space<vmem>>, %arg4: memref<2048x128xf32, #tpu.memory_space<vmem>>, %arg5: memref<1x1x2048xf32, #tpu.memory_space<vmem>>, %arg6: memref<256x128xi32, #tpu.memory_space<vmem>>, %arg7: memref<1xi32, #tpu.memory_space<smem>>, %arg8: memref<8192x1xf32, #tpu.memory_space<vmem>>, %arg9: memref<8192x128xf32, #tpu.memory_space<vmem>>, %arg10: memref<8192x1xf32, #tpu.memory_space<vmem>>, %arg11: memref<8192x1xf32, #tpu.memory_space<vmem>>, %arg12: memref<8192x1xf32, #tpu.memory_space<vmem>>) attributes {dimension_semantics = [#tpu.dimension_semantics<arbitrary>, #tpu.dimension_semantics<arbitrary>], iteration_bounds = array<i64: 20, 32>, scalar_prefetch = 0 : i64, scratch_operands = 4 : i64, tpu.core_type = #tpu.core_type<tc>, window_params = [{transform_indices = @transform_0, window_bounds = array<i64: 256, 128>}, {transform_indices = @transform_1, window_bounds = array<i64: 128, 128>}, {transform_indices = @transform_2, window_bounds = array<i64: 2048, 128>}, {transform_indices = @transform_3, window_bounds = array<i64: 1, 1, 2048>}, {transform_indices = @transform_4, window_bounds = array<i64: 256, 128>}, {transform_indices = @transform_5, window_bounds = array<i64: 1>}, {pipeline_mode = #tpu.pipeline_mode<synchronous>, transform_indices = @transform_6, window_bounds = array<i64: 8192, 1>}]} {
    %mul3A = arith.constant 256 : i32
    %mul3A_0 = arith.muli %arg1, %mul3A : i32
    %mul3A_1 = arith.constant 256 : i32
    %mul3A_2 = arith.muli %arg1, %mul3A_1 : i32
    %get3A = arith.constant 0 : index
    %get3A_3 = memref.load %arg7[%get3A] : memref<1xi32, #tpu.memory_space<smem>>
    %lt3A = arith.cmpi slt, %mul3A_2, %get3A_3 : i32
    %convert_element_type3A = arith.extui %lt3A : i1 to i32
    %cond3A = arith.constant 0 : i32
    %cond3A_4 = arith.cmpi ne, %convert_element_type3A, %cond3A : i32
    scf.if %cond3A_4 {
      %eq3A = arith.constant 0 : i32
      %eq3A_5 = arith.cmpi eq, %arg0, %eq3A : i32
      %convert_element_type3A_6 = arith.extui %eq3A_5 : i1 to i32
      %cond3A_7 = arith.constant 0 : i32
      %cond3A_8 = arith.cmpi ne, %convert_element_type3A_6, %cond3A_7 : i32
      scf.if %cond3A_8 {
        %get3A_69 = arith.constant 0 : index
        %get3A_70 = arith.constant 0 : index
        %get3A_71 = vector.load %arg2[%get3A_69, %get3A_70] : memref<256x128xf32, #tpu.memory_space<vmem>>, vector<256x128xf32>
        %swap3A_72 = arith.index_cast %mul3A_0 : i32 to index
        %swap3A_73 = arith.constant 0 : index
        %swap3A_74 = vector.load %arg9[%swap3A_72, %swap3A_73] : memref<8192x128xf32, #tpu.memory_space<vmem>>, vector<256x128xf32>
        tpu.vector_store %arg9[%swap3A_72, %swap3A_73], %get3A_71 {strides = array<i32>} : memref<8192x128xf32, #tpu.memory_space<vmem>>, vector<256x128xf32>,
        %broadcast_in_dim3A_75 = arith.constant -1.000000e+30 : f32
        %broadcast_in_dim3A_76 = vector.broadcast %broadcast_in_dim3A_75 : f32 to vector<256x1xf32>
        %swap3A_77 = arith.index_cast %mul3A_0 : i32 to index
        %swap3A_78 = arith.constant 0 : index
        %swap3A_79 = vector.load %arg10[%swap3A_77, %swap3A_78] : memref<8192x1xf32, #tpu.memory_space<vmem>>, vector<256x1xf32>
        tpu.vector_store %arg10[%swap3A_77, %swap3A_78], %broadcast_in_dim3A_76 {strides = array<i32>} : memref<8192x1xf32, #tpu.memory_space<vmem>>, vector<256x1xf32>,
        %broadcast_in_dim3A_80 = arith.constant 0.000000e+00 : f32
        %broadcast_in_dim3A_81 = vector.broadcast %broadcast_in_dim3A_80 : f32 to vector<256x1xf32>
        %swap3A_82 = arith.index_cast %mul3A_0 : i32 to index
        %swap3A_83 = arith.constant 0 : index
        %swap3A_84 = vector.load %arg11[%swap3A_82, %swap3A_83] : memref<8192x1xf32, #tpu.memory_space<vmem>>, vector<256x1xf32>
        tpu.vector_store %arg11[%swap3A_82, %swap3A_83], %broadcast_in_dim3A_81 {strides = array<i32>} : memref<8192x1xf32, #tpu.memory_space<vmem>>, vector<256x1xf32>,
        %broadcast_in_dim3A_85 = arith.constant 0.000000e+00 : f32
        %broadcast_in_dim3A_86 = vector.broadcast %broadcast_in_dim3A_85 : f32 to vector<256x1xf32>
        %swap3A_87 = arith.index_cast %mul3A_0 : i32 to index
        %swap3A_88 = arith.constant 0 : index
        %swap3A_89 = vector.load %arg12[%swap3A_87, %swap3A_88] : memref<8192x1xf32, #tpu.memory_space<vmem>>, vector<256x1xf32>
        tpu.vector_store %arg12[%swap3A_87, %swap3A_88], %broadcast_in_dim3A_86 {strides = array<i32>} : memref<8192x1xf32, #tpu.memory_space<vmem>>, vector<256x1xf32>,
      } else {
      }
      %get3A_9 = arith.constant 0 : index
      %get3A_10 = arith.constant 0 : index
      %get3A_11 = vector.load %arg6[%get3A_9, %get3A_10] : memref<256x128xi32, #tpu.memory_space<vmem>>, vector<256x1xi32>
      %get3A_12 = arith.index_cast %mul3A_0 : i32 to index
      %get3A_13 = arith.constant 0 : index
      %get3A_14 = vector.load %arg9[%get3A_12, %get3A_13] : memref<8192x128xf32, #tpu.memory_space<vmem>>, vector<256x128xf32>
      %get3A_15 = arith.constant 0 : index
      %get3A_16 = arith.constant 0 : index
      %get3A_17 = vector.load %arg4[%get3A_15, %get3A_16] : memref<2048x128xf32, #tpu.memory_space<vmem>>, vector<2048x128xf32>
      %dot_general3A = arith.constant dense<0.000000e+00> : vector<256x2048xf32>
      %dot_general3A_18 = tpu.matmul %get3A_14, %get3A_17, %dot_general3A {dimension_numbers = #tpu.dot_dimension_numbers<[1], [1], [0], [0], [0, 0, 1, 0], [], []>, transpose_lhs_hint = false} : vector<256x128xf32>, vector<2048x128xf32>, vector<256x2048xf32> -> vector<256x2048xf32>
      %get3A_19 = arith.constant 0 : index
      %get3A_20 = arith.constant 0 : index
      %get3A_21 = arith.constant 0 : index
      %get3A_22 = vector.load %arg5[%get3A_19, %get3A_20, %get3A_21] : memref<1x1x2048xf32, #tpu.memory_space<vmem>>, vector<1x1x2048xf32>
      %get3A_23 = vector.shape_cast %get3A_22 : vector<1x1x2048xf32> to vector<1x2048xf32>
      %add3A = vector.broadcast %get3A_23 : vector<1x2048xf32> to vector<256x2048xf32>
      %add3A_24 = arith.addf %dot_general3A_18, %add3A : vector<256x2048xf32>
      %mul3A_25 = arith.constant 2048 : i32
      %mul3A_26 = arith.muli %arg0, %mul3A_25 : i32
      %iota3A = tpu.iota {dimensions = array<i32: 1>} : vector<256x2048xi32>
      %add3A_27 = vector.broadcast %mul3A_26 : i32 to vector<256x2048xi32>
      %add3A_28 = arith.addi %add3A_27, %iota3A : vector<256x2048xi32>
      %get3A_29 = arith.index_cast %mul3A_0 : i32 to index
      %get3A_30 = arith.constant 0 : index
      %get3A_31 = vector.load %arg12[%get3A_29, %get3A_30] : memref<8192x1xf32, #tpu.memory_space<vmem>>, vector<256x1xf32>
      %eq3A_32 = vector.broadcast %get3A_11 : vector<256x1xi32> to vector<256x2048xi32>
      %eq3A_33 = arith.cmpi eq, %add3A_28, %eq3A_32 : vector<256x2048xi32>
      %jit3A = arith.constant 0.000000e+00 : f32
      %broadcast_in_dim3A = vector.broadcast %jit3A : f32 to vector<256x2048xf32>
      %select_n3A = arith.select %eq3A_33, %add3A_24, %broadcast_in_dim3A : vector<256x2048xi1>, vector<256x2048xf32>
      %reduce_sum3A = arith.constant dense<0.000000e+00> : vector<256xf32>
      %reduce_sum3A_34 = vector.multi_reduction <add>, %select_n3A, %reduce_sum3A [1] : vector<256x2048xf32> to vector<256xf32>
      %broadcast_in_dim3A_35 = vector.shape_cast %reduce_sum3A_34 : vector<256xf32> to vector<256x1xf32>
      %add3A_36 = arith.addf %get3A_31, %broadcast_in_dim3A_35 : vector<256x1xf32>
      %swap3A = arith.index_cast %mul3A_0 : i32 to index
      %swap3A_37 = arith.constant 0 : index
      %swap3A_38 = vector.load %arg12[%swap3A, %swap3A_37] : memref<8192x1xf32, #tpu.memory_space<vmem>>, vector<256x1xf32>
      tpu.vector_store %arg12[%swap3A, %swap3A_37], %add3A_36 {strides = array<i32>} : memref<8192x1xf32, #tpu.memory_space<vmem>>, vector<256x1xf32>,
      %reduce_max3A = arith.constant dense<0xFF800000> : vector<256xf32>
      %reduce_max3A_39 = vector.multi_reduction <maximumf>, %add3A_24, %reduce_max3A [1] : vector<256x2048xf32> to vector<256xf32>
      %broadcast_in_dim3A_40 = vector.shape_cast %reduce_max3A_39 : vector<256xf32> to vector<256x1xf32>
      %get3A_41 = arith.index_cast %mul3A_0 : i32 to index
      %get3A_42 = arith.constant 0 : index
      %get3A_43 = vector.load %arg10[%get3A_41, %get3A_42] : memref<8192x1xf32, #tpu.memory_space<vmem>>, vector<256x1xf32>
      %max3A = arith.maximumf %get3A_43, %broadcast_in_dim3A_40 : vector<256x1xf32>
      %get3A_44 = arith.index_cast %mul3A_0 : i32 to index
      %get3A_45 = arith.constant 0 : index
      %get3A_46 = vector.load %arg11[%get3A_44, %get3A_45] : memref<8192x1xf32, #tpu.memory_space<vmem>>, vector<256x1xf32>
      %get3A_47 = arith.index_cast %mul3A_0 : i32 to index
      %get3A_48 = arith.constant 0 : index
      %get3A_49 = vector.load %arg10[%get3A_47, %get3A_48] : memref<8192x1xf32, #tpu.memory_space<vmem>>, vector<256x1xf32>
      %sub3A = arith.subf %get3A_49, %max3A : vector<256x1xf32>
      %exp3A = math.exp %sub3A : vector<256x1xf32>
      %mul3A_50 = arith.mulf %get3A_46, %exp3A : vector<256x1xf32>
      %sub3A_51 = vector.broadcast %max3A : vector<256x1xf32> to vector<256x2048xf32>
      %sub3A_52 = arith.subf %add3A_24, %sub3A_51 : vector<256x2048xf32>
      %exp3A_53 = math.exp %sub3A_52 : vector<256x2048xf32>
      %reduce_sum3A_54 = arith.constant dense<0.000000e+00> : vector<256xf32>
      %reduce_sum3A_55 = vector.multi_reduction <add>, %exp3A_53, %reduce_sum3A_54 [1] : vector<256x2048xf32> to vector<256xf32>
      %broadcast_in_dim3A_56 = vector.shape_cast %reduce_sum3A_55 : vector<256xf32> to vector<256x1xf32>
      %add3A_57 = arith.addf %mul3A_50, %broadcast_in_dim3A_56 : vector<256x1xf32>
      %swap3A_58 = arith.index_cast %mul3A_0 : i32 to index
      %swap3A_59 = arith.constant 0 : index
      %swap3A_60 = vector.load %arg11[%swap3A_58, %swap3A_59] : memref<8192x1xf32, #tpu.memory_space<vmem>>, vector<256x1xf32>
      tpu.vector_store %arg11[%swap3A_58, %swap3A_59], %add3A_57 {strides = array<i32>} : memref<8192x1xf32, #tpu.memory_space<vmem>>, vector<256x1xf32>,
      %swap3A_61 = arith.index_cast %mul3A_0 : i32 to index
      %swap3A_62 = arith.constant 0 : index
      %swap3A_63 = vector.load %arg10[%swap3A_61, %swap3A_62] : memref<8192x1xf32, #tpu.memory_space<vmem>>, vector<256x1xf32>
      tpu.vector_store %arg10[%swap3A_61, %swap3A_62], %max3A {strides = array<i32>} : memref<8192x1xf32, #tpu.memory_space<vmem>>, vector<256x1xf32>,
      %eq3A_64 = arith.constant 19 : i32
      %eq3A_65 = arith.cmpi eq, %arg0, %eq3A_64 : i32
      %convert_element_type3A_66 = arith.extui %eq3A_65 : i1 to i32
      %cond3A_67 = arith.constant 0 : i32
      %cond3A_68 = arith.cmpi ne, %convert_element_type3A_66, %cond3A_67 : i32
      scf.if %cond3A_68 {
        %get3A_69 = arith.index_cast %mul3A_0 : i32 to index
        %get3A_70 = arith.constant 0 : index
        %get3A_71 = vector.load %arg10[%get3A_69, %get3A_70] : memref<8192x1xf32, #tpu.memory_space<vmem>>, vector<256x1xf32>
        %get3A_72 = arith.index_cast %mul3A_0 : i32 to index
        %get3A_73 = arith.constant 0 : index
        %get3A_74 = vector.load %arg11[%get3A_72, %get3A_73] : memref<8192x1xf32, #tpu.memory_space<vmem>>, vector<256x1xf32>
        %log3A = math.log %get3A_74 : vector<256x1xf32>
        %add3A_75 = arith.addf %get3A_71, %log3A : vector<256x1xf32>
        %get3A_76 = arith.index_cast %mul3A_0 : i32 to index
        %get3A_77 = arith.constant 0 : index
        %get3A_78 = vector.load %arg12[%get3A_76, %get3A_77] : memref<8192x1xf32, #tpu.memory_space<vmem>>, vector<256x1xf32>
        %sub3A_79 = arith.subf %add3A_75, %get3A_78 : vector<256x1xf32>
        %swap3A_80 = arith.index_cast %mul3A_0 : i32 to index
        %swap3A_81 = arith.constant 0 : index
        %swap3A_82 = vector.load %arg8[%swap3A_80, %swap3A_81] : memref<8192x1xf32, #tpu.memory_space<vmem>>, vector<256x1xf32>
        tpu.vector_store %arg8[%swap3A_80, %swap3A_81], %sub3A_79 {strides = array<i32>} : memref<8192x1xf32, #tpu.memory_space<vmem>>, vector<256x1xf32>,
      } else {
      }
    } else {
    }
    return
  }
  func.func @transform_0(%arg0: i32, %arg1: i32) -> (i32, i32) {
    %eq3A = arith.constant 0 : i32
    %eq3A_0 = arith.cmpi eq, %arg0, %eq3A : i32
    %jit3A = arith.constant 0 : i32
    %select_n3A = arith.select %eq3A_0, %arg1, %jit3A : i32
    %c0_i32 = arith.constant 0 : i32
    %c0_i32_1 = arith.constant 0 : i32
    return %select_n3A, %c0_i32 : i32, i32
  }
  func.func @transform_1(%arg0: i32, %arg1: i32) -> (i32, i32) {
    %c0_i32 = arith.constant 0 : i32
    %c0_i32_0 = arith.constant 0 : i32
    %c0_i32_1 = arith.constant 0 : i32
    return %c0_i32, %c0_i32_0 : i32, i32
  }
  func.func @transform_2(%arg0: i32, %arg1: i32) -> (i32, i32) {
    %c0_i32 = arith.constant 0 : i32
    %c0_i32_0 = arith.constant 0 : i32
    return %arg0, %c0_i32 : i32, i32
  }
  func.func @transform_3(%arg0: i32, %arg1: i32) -> (i32, i32, i32) {
    %c0_i32 = arith.constant 0 : i32
    %c0_i32_0 = arith.constant 0 : i32
    %c0_i32_1 = arith.constant 0 : i32
    return %arg0, %c0_i32, %c0_i32_0 : i32, i32, i32
  }
  func.func @transform_4(%arg0: i32, %arg1: i32) -> (i32, i32) {
    %c0_i32 = arith.constant 0 : i32
    %c0_i32_0 = arith.constant 0 : i32
    return %arg1, %c0_i32 : i32, i32
  }
  func.func @transform_5(%arg0: i32, %arg1: i32) -> i32 {
    %c0_i32 = arith.constant 0 : i32
    %c0_i32_0 = arith.constant 0 : i32
    return %c0_i32 : i32
  }
  func.func @transform_6(%arg0: i32, %arg1: i32) -> (i32, i32) {
    %c0_i32 = arith.constant 0 : i32
    %c0_i32_0 = arith.constant 0 : i32
    %c0_i32_1 = arith.constant 0 : i32
    return %c0_i32, %c0_i32_0 : i32, i32
  }
}

module attributes {stable_mosaic.version = 14 : i64} {
  func.func @_flash_nll_body(%arg0: i32, %arg1: i32, %arg2: memref<256x256xf32, #tpu.memory_space<vmem>>, %arg3: memref<256x256xf32, #tpu.memory_space<vmem>>, %arg4: memref<2048x256xf32, #tpu.memory_space<vmem>>, %arg5: memref<1x1x2048xf32, #tpu.memory_space<vmem>>, %arg6: memref<256x128xi32, #tpu.memory_space<vmem>>, %arg7: memref<1xi32, #tpu.memory_space<smem>>, %arg8: memref<8192x1xf32, #tpu.memory_space<vmem>>, %arg9: memref<8192x256xf32, #tpu.memory_space<vmem>>, %arg10: memref<8192x1xf32, #tpu.memory_space<vmem>>, %arg11: memref<8192x1xf32, #tpu.memory_space<vmem>>, %arg12: memref<8192x1xf32, #tpu.memory_space<vmem>>) attributes {dimension_semantics = [#tpu.dimension_semantics<arbitrary>, #tpu.dimension_semantics<arbitrary>], iteration_bounds = array<i64: 20, 32>, scalar_prefetch = 0 : i64, scratch_operands = 4 : i64, tpu.core_type = #tpu.core_type<tc>, window_params = [{transform_indices = @transform_0, window_bounds = array<i64: 256, 256>}, {transform_indices = @transform_1, window_bounds = array<i64: 256, 256>}, {transform_indices = @transform_2, window_bounds = array<i64: 2048, 256>}, {transform_indices = @transform_3, window_bounds = array<i64: 1, 1, 2048>}, {transform_indices = @transform_4, window_bounds = array<i64: 256, 128>}, {transform_indices = @transform_5, window_bounds = array<i64: 1>}, {pipeline_mode = #tpu.pipeline_mode<synchronous>, transform_indices = @transform_6, window_bounds = array<i64: 8192, 1>}]} {
    %mul3A = arith.constant 256 : i32
    %mul3A_0 = arith.muli %arg1, %mul3A : i32
    %mul3A_1 = arith.constant 256 : i32
    %mul3A_2 = arith.muli %arg1, %mul3A_1 : i32
    %get3A = arith.constant 0 : index
    %get3A_3 = memref.load %arg7[%get3A] : memref<1xi32, #tpu.memory_space<smem>>
    %lt3A = arith.cmpi slt, %mul3A_2, %get3A_3 : i32
    %convert_element_type3A = arith.extui %lt3A : i1 to i32
    %cond3A = arith.constant 0 : i32
    %cond3A_4 = arith.cmpi ne, %convert_element_type3A, %cond3A : i32
    scf.if %cond3A_4 {
      %eq3A = arith.constant 0 : i32
      %eq3A_5 = arith.cmpi eq, %arg0, %eq3A : i32
      %convert_element_type3A_6 = arith.extui %eq3A_5 : i1 to i32
      %cond3A_7 = arith.constant 0 : i32
      %cond3A_8 = arith.cmpi ne, %convert_element_type3A_6, %cond3A_7 : i32
      scf.if %cond3A_8 {
        %get3A_69 = arith.constant 0 : index
        %get3A_70 = arith.constant 0 : index
        %get3A_71 = vector.load %arg2[%get3A_69, %get3A_70] : memref<256x256xf32, #tpu.memory_space<vmem>>, vector<256x256xf32>
        %swap3A_72 = arith.index_cast %mul3A_0 : i32 to index
        %swap3A_73 = arith.constant 0 : index
        %swap3A_74 = vector.load %arg9[%swap3A_72, %swap3A_73] : memref<8192x256xf32, #tpu.memory_space<vmem>>, vector<256x256xf32>
        tpu.vector_store %arg9[%swap3A_72, %swap3A_73], %get3A_71 {strides = array<i32>} : memref<8192x256xf32, #tpu.memory_space<vmem>>, vector<256x256xf32>,
        %broadcast_in_dim3A_75 = arith.constant -1.000000e+30 : f32
        %broadcast_in_dim3A_76 = vector.broadcast %broadcast_in_dim3A_75 : f32 to vector<256x1xf32>
        %swap3A_77 = arith.index_cast %mul3A_0 : i32 to index
        %swap3A_78 = arith.constant 0 : index
        %swap3A_79 = vector.load %arg10[%swap3A_77, %swap3A_78] : memref<8192x1xf32, #tpu.memory_space<vmem>>, vector<256x1xf32>
        tpu.vector_store %arg10[%swap3A_77, %swap3A_78], %broadcast_in_dim3A_76 {strides = array<i32>} : memref<8192x1xf32, #tpu.memory_space<vmem>>, vector<256x1xf32>,
        %broadcast_in_dim3A_80 = arith.constant 0.000000e+00 : f32
        %broadcast_in_dim3A_81 = vector.broadcast %broadcast_in_dim3A_80 : f32 to vector<256x1xf32>
        %swap3A_82 = arith.index_cast %mul3A_0 : i32 to index
        %swap3A_83 = arith.constant 0 : index
        %swap3A_84 = vector.load %arg11[%swap3A_82, %swap3A_83] : memref<8192x1xf32, #tpu.memory_space<vmem>>, vector<256x1xf32>
        tpu.vector_store %arg11[%swap3A_82, %swap3A_83], %broadcast_in_dim3A_81 {strides = array<i32>} : memref<8192x1xf32, #tpu.memory_space<vmem>>, vector<256x1xf32>,
        %broadcast_in_dim3A_85 = arith.constant 0.000000e+00 : f32
        %broadcast_in_dim3A_86 = vector.broadcast %broadcast_in_dim3A_85 : f32 to vector<256x1xf32>
        %swap3A_87 = arith.index_cast %mul3A_0 : i32 to index
        %swap3A_88 = arith.constant 0 : index
        %swap3A_89 = vector.load %arg12[%swap3A_87, %swap3A_88] : memref<8192x1xf32, #tpu.memory_space<vmem>>, vector<256x1xf32>
        tpu.vector_store %arg12[%swap3A_87, %swap3A_88], %broadcast_in_dim3A_86 {strides = array<i32>} : memref<8192x1xf32, #tpu.memory_space<vmem>>, vector<256x1xf32>,
      } else {
      }
      %get3A_9 = arith.constant 0 : index
      %get3A_10 = arith.constant 0 : index
      %get3A_11 = vector.load %arg6[%get3A_9, %get3A_10] : memref<256x128xi32, #tpu.memory_space<vmem>>, vector<256x1xi32>
      %get3A_12 = arith.index_cast %mul3A_0 : i32 to index
      %get3A_13 = arith.constant 0 : index
      %get3A_14 = vector.load %arg9[%get3A_12, %get3A_13] : memref<8192x256xf32, #tpu.memory_space<vmem>>, vector<256x256xf32>
      %get3A_15 = arith.constant 0 : index
      %get3A_16 = arith.constant 0 : index
      %get3A_17 = vector.load %arg4[%get3A_15, %get3A_16] : memref<2048x256xf32, #tpu.memory_space<vmem>>, vector<2048x256xf32>
      %dot_general3A = arith.constant dense<0.000000e+00> : vector<256x2048xf32>
      %dot_general3A_18 = tpu.matmul %get3A_14, %get3A_17, %dot_general3A {dimension_numbers = #tpu.dot_dimension_numbers<[1], [1], [0], [0], [0, 0, 1, 0], [], []>, transpose_lhs_hint = false} : vector<256x256xf32>, vector<2048x256xf32>, vector<256x2048xf32> -> vector<256x2048xf32>
      %get3A_19 = arith.constant 0 : index
      %get3A_20 = arith.constant 0 : index
      %get3A_21 = arith.constant 0 : index
      %get3A_22 = vector.load %arg5[%get3A_19, %get3A_20, %get3A_21] : memref<1x1x2048xf32, #tpu.memory_space<vmem>>, vector<1x1x2048xf32>
      %get3A_23 = vector.shape_cast %get3A_22 : vector<1x1x2048xf32> to vector<1x2048xf32>
      %add3A = vector.broadcast %get3A_23 : vector<1x2048xf32> to vector<256x2048xf32>
      %add3A_24 = arith.addf %dot_general3A_18, %add3A : vector<256x2048xf32>
      %mul3A_25 = arith.constant 2048 : i32
      %mul3A_26 = arith.muli %arg0, %mul3A_25 : i32
      %iota3A = tpu.iota {dimensions = array<i32: 1>} : vector<256x2048xi32>
      %add3A_27 = vector.broadcast %mul3A_26 : i32 to vector<256x2048xi32>
      %add3A_28 = arith.addi %add3A_27, %iota3A : vector<256x2048xi32>
      %get3A_29 = arith.index_cast %mul3A_0 : i32 to index
      %get3A_30 = arith.constant 0 : index
      %get3A_31 = vector.load %arg12[%get3A_29, %get3A_30] : memref<8192x1xf32, #tpu.memory_space<vmem>>, vector<256x1xf32>
      %eq3A_32 = vector.broadcast %get3A_11 : vector<256x1xi32> to vector<256x2048xi32>
      %eq3A_33 = arith.cmpi eq, %add3A_28, %eq3A_32 : vector<256x2048xi32>
      %jit3A = arith.constant 0.000000e+00 : f32
      %broadcast_in_dim3A = vector.broadcast %jit3A : f32 to vector<256x2048xf32>
      %select_n3A = arith.select %eq3A_33, %add3A_24, %broadcast_in_dim3A : vector<256x2048xi1>, vector<256x2048xf32>
      %reduce_sum3A = arith.constant dense<0.000000e+00> : vector<256xf32>
      %reduce_sum3A_34 = vector.multi_reduction <add>, %select_n3A, %reduce_sum3A [1] : vector<256x2048xf32> to vector<256xf32>
      %broadcast_in_dim3A_35 = vector.shape_cast %reduce_sum3A_34 : vector<256xf32> to vector<256x1xf32>
      %add3A_36 = arith.addf %get3A_31, %broadcast_in_dim3A_35 : vector<256x1xf32>
      %swap3A = arith.index_cast %mul3A_0 : i32 to index
      %swap3A_37 = arith.constant 0 : index
      %swap3A_38 = vector.load %arg12[%swap3A, %swap3A_37] : memref<8192x1xf32, #tpu.memory_space<vmem>>, vector<256x1xf32>
      tpu.vector_store %arg12[%swap3A, %swap3A_37], %add3A_36 {strides = array<i32>} : memref<8192x1xf32, #tpu.memory_space<vmem>>, vector<256x1xf32>,
      %reduce_max3A = arith.constant dense<0xFF800000> : vector<256xf32>
      %reduce_max3A_39 = vector.multi_reduction <maximumf>, %add3A_24, %reduce_max3A [1] : vector<256x2048xf32> to vector<256xf32>
      %broadcast_in_dim3A_40 = vector.shape_cast %reduce_max3A_39 : vector<256xf32> to vector<256x1xf32>
      %get3A_41 = arith.index_cast %mul3A_0 : i32 to index
      %get3A_42 = arith.constant 0 : index
      %get3A_43 = vector.load %arg10[%get3A_41, %get3A_42] : memref<8192x1xf32, #tpu.memory_space<vmem>>, vector<256x1xf32>
      %max3A = arith.maximumf %get3A_43, %broadcast_in_dim3A_40 : vector<256x1xf32>
      %get3A_44 = arith.index_cast %mul3A_0 : i32 to index
      %get3A_45 = arith.constant 0 : index
      %get3A_46 = vector.load %arg11[%get3A_44, %get3A_45] : memref<8192x1xf32, #tpu.memory_space<vmem>>, vector<256x1xf32>
      %get3A_47 = arith.index_cast %mul3A_0 : i32 to index
      %get3A_48 = arith.constant 0 : index
      %get3A_49 = vector.load %arg10[%get3A_47, %get3A_48] : memref<8192x1xf32, #tpu.memory_space<vmem>>, vector<256x1xf32>
      %sub3A = arith.subf %get3A_49, %max3A : vector<256x1xf32>
      %exp3A = math.exp %sub3A : vector<256x1xf32>
      %mul3A_50 = arith.mulf %get3A_46, %exp3A : vector<256x1xf32>
      %sub3A_51 = vector.broadcast %max3A : vector<256x1xf32> to vector<256x2048xf32>
      %sub3A_52 = arith.subf %add3A_24, %sub3A_51 : vector<256x2048xf32>
      %exp3A_53 = math.exp %sub3A_52 : vector<256x2048xf32>
      %reduce_sum3A_54 = arith.constant dense<0.000000e+00> : vector<256xf32>
      %reduce_sum3A_55 = vector.multi_reduction <add>, %exp3A_53, %reduce_sum3A_54 [1] : vector<256x2048xf32> to vector<256xf32>
      %broadcast_in_dim3A_56 = vector.shape_cast %reduce_sum3A_55 : vector<256xf32> to vector<256x1xf32>
      %add3A_57 = arith.addf %mul3A_50, %broadcast_in_dim3A_56 : vector<256x1xf32>
      %swap3A_58 = arith.index_cast %mul3A_0 : i32 to index
      %swap3A_59 = arith.constant 0 : index
      %swap3A_60 = vector.load %arg11[%swap3A_58, %swap3A_59] : memref<8192x1xf32, #tpu.memory_space<vmem>>, vector<256x1xf32>
      tpu.vector_store %arg11[%swap3A_58, %swap3A_59], %add3A_57 {strides = array<i32>} : memref<8192x1xf32, #tpu.memory_space<vmem>>, vector<256x1xf32>,
      %swap3A_61 = arith.index_cast %mul3A_0 : i32 to index
      %swap3A_62 = arith.constant 0 : index
      %swap3A_63 = vector.load %arg10[%swap3A_61, %swap3A_62] : memref<8192x1xf32, #tpu.memory_space<vmem>>, vector<256x1xf32>
      tpu.vector_store %arg10[%swap3A_61, %swap3A_62], %max3A {strides = array<i32>} : memref<8192x1xf32, #tpu.memory_space<vmem>>, vector<256x1xf32>,
      %eq3A_64 = arith.constant 19 : i32
      %eq3A_65 = arith.cmpi eq, %arg0, %eq3A_64 : i32
      %convert_element_type3A_66 = arith.extui %eq3A_65 : i1 to i32
      %cond3A_67 = arith.constant 0 : i32
      %cond3A_68 = arith.cmpi ne, %convert_element_type3A_66, %cond3A_67 : i32
      scf.if %cond3A_68 {
        %get3A_69 = arith.index_cast %mul3A_0 : i32 to index
        %get3A_70 = arith.constant 0 : index
        %get3A_71 = vector.load %arg10[%get3A_69, %get3A_70] : memref<8192x1xf32, #tpu.memory_space<vmem>>, vector<256x1xf32>
        %get3A_72 = arith.index_cast %mul3A_0 : i32 to index
        %get3A_73 = arith.constant 0 : index
        %get3A_74 = vector.load %arg11[%get3A_72, %get3A_73] : memref<8192x1xf32, #tpu.memory_space<vmem>>, vector<256x1xf32>
        %log3A = math.log %get3A_74 : vector<256x1xf32>
        %add3A_75 = arith.addf %get3A_71, %log3A : vector<256x1xf32>
        %get3A_76 = arith.index_cast %mul3A_0 : i32 to index
        %get3A_77 = arith.constant 0 : index
        %get3A_78 = vector.load %arg12[%get3A_76, %get3A_77] : memref<8192x1xf32, #tpu.memory_space<vmem>>, vector<256x1xf32>
        %sub3A_79 = arith.subf %add3A_75, %get3A_78 : vector<256x1xf32>
        %swap3A_80 = arith.index_cast %mul3A_0 : i32 to index
        %swap3A_81 = arith.constant 0 : index
        %swap3A_82 = vector.load %arg8[%swap3A_80, %swap3A_81] : memref<8192x1xf32, #tpu.memory_space<vmem>>, vector<256x1xf32>
        tpu.vector_store %arg8[%swap3A_80, %swap3A_81], %sub3A_79 {strides = array<i32>} : memref<8192x1xf32, #tpu.memory_space<vmem>>, vector<256x1xf32>,
      } else {
      }
    } else {
    }
    return
  }
  func.func @transform_0(%arg0: i32, %arg1: i32) -> (i32, i32) {
    %eq3A = arith.constant 0 : i32
    %eq3A_0 = arith.cmpi eq, %arg0, %eq3A : i32
    %jit3A = arith.constant 0 : i32
    %select_n3A = arith.select %eq3A_0, %arg1, %jit3A : i32
    %c0_i32 = arith.constant 0 : i32
    %c0_i32_1 = arith.constant 0 : i32
    return %select_n3A, %c0_i32 : i32, i32
  }
  func.func @transform_1(%arg0: i32, %arg1: i32) -> (i32, i32) {
    %c0_i32 = arith.constant 0 : i32
    %c0_i32_0 = arith.constant 0 : i32
    %c0_i32_1 = arith.constant 0 : i32
    return %c0_i32, %c0_i32_0 : i32, i32
  }
  func.func @transform_2(%arg0: i32, %arg1: i32) -> (i32, i32) {
    %c0_i32 = arith.constant 0 : i32
    %c0_i32_0 = arith.constant 0 : i32
    return %arg0, %c0_i32 : i32, i32
  }
  func.func @transform_3(%arg0: i32, %arg1: i32) -> (i32, i32, i32) {
    %c0_i32 = arith.constant 0 : i32
    %c0_i32_0 = arith.constant 0 : i32
    %c0_i32_1 = arith.constant 0 : i32
    return %arg0, %c0_i32, %c0_i32_0 : i32, i32, i32
  }
  func.func @transform_4(%arg0: i32, %arg1: i32) -> (i32, i32) {
    %c0_i32 = arith.constant 0 : i32
    %c0_i32_0 = arith.constant 0 : i32
    return %arg1, %c0_i32 : i32, i32
  }
  func.func @transform_5(%arg0: i32, %arg1: i32) -> i32 {
    %c0_i32 = arith.constant 0 : i32
    %c0_i32_0 = arith.constant 0 : i32
    return %c0_i32 : i32
  }
  func.func @transform_6(%arg0: i32, %arg1: i32) -> (i32, i32) {
    %c0_i32 = arith.constant 0 : i32
    %c0_i32_0 = arith.constant 0 : i32
    %c0_i32_1 = arith.constant 0 : i32
    return %c0_i32, %c0_i32_0 : i32, i32
  }
}

module attributes {stable_mosaic.version = 14 : i64} {
  func.func @_flash_nll_body(%arg0: i32, %arg1: i32, %arg2: memref<256x1024xf32, #tpu.memory_space<vmem>>, %arg3: memref<1024x1024xf32, #tpu.memory_space<vmem>>, %arg4: memref<1024x1024xf32, #tpu.memory_space<vmem>>, %arg5: memref<1x1x1024xf32, #tpu.memory_space<vmem>>, %arg6: memref<256x128xi32, #tpu.memory_space<vmem>>, %arg7: memref<1xi32, #tpu.memory_space<smem>>, %arg8: memref<8192x1xf32, #tpu.memory_space<vmem>>, %arg9: memref<8192x1024xf32, #tpu.memory_space<vmem>>, %arg10: memref<8192x1xf32, #tpu.memory_space<vmem>>, %arg11: memref<8192x1xf32, #tpu.memory_space<vmem>>, %arg12: memref<8192x1xf32, #tpu.memory_space<vmem>>) attributes {dimension_semantics = [#tpu.dimension_semantics<arbitrary>, #tpu.dimension_semantics<arbitrary>], iteration_bounds = array<i64: 20, 32>, scalar_prefetch = 0 : i64, scratch_operands = 4 : i64, tpu.core_type = #tpu.core_type<tc>, window_params = [{transform_indices = @transform_0, window_bounds = array<i64: 256, 1024>}, {pipeline_mode = #tpu.pipeline_mode<synchronous>, transform_indices = @transform_1, window_bounds = array<i64: 1024, 1024>}, {transform_indices = @transform_2, window_bounds = array<i64: 1024, 1024>}, {transform_indices = @transform_3, window_bounds = array<i64: 1, 1, 1024>}, {transform_indices = @transform_4, window_bounds = array<i64: 256, 128>}, {transform_indices = @transform_5, window_bounds = array<i64: 1>}, {pipeline_mode = #tpu.pipeline_mode<synchronous>, transform_indices = @transform_6, window_bounds = array<i64: 8192, 1>}]} {
    %mul3A = arith.constant 256 : i32
    %mul3A_0 = arith.muli %arg1, %mul3A : i32
    %mul3A_1 = arith.constant 256 : i32
    %mul3A_2 = arith.muli %arg1, %mul3A_1 : i32
    %get3A = arith.constant 0 : index
    %get3A_3 = memref.load %arg7[%get3A] : memref<1xi32, #tpu.memory_space<smem>>
    %lt3A = arith.cmpi slt, %mul3A_2, %get3A_3 : i32
    %convert_element_type3A = arith.extui %lt3A : i1 to i32
    %cond3A = arith.constant 0 : i32
    %cond3A_4 = arith.cmpi ne, %convert_element_type3A, %cond3A : i32
    scf.if %cond3A_4 {
      %eq3A = arith.constant 0 : i32
      %eq3A_5 = arith.cmpi eq, %arg0, %eq3A : i32
      %convert_element_type3A_6 = arith.extui %eq3A_5 : i1 to i32
      %cond3A_7 = arith.constant 0 : i32
      %cond3A_8 = arith.cmpi ne, %convert_element_type3A_6, %cond3A_7 : i32
      scf.if %cond3A_8 {
        %get3A_80 = arith.constant 0 : index
        %get3A_81 = arith.constant 0 : index
        %get3A_82 = vector.load %arg2[%get3A_80, %get3A_81] : memref<256x1024xf32, #tpu.memory_space<vmem>>, vector<256x1024xf32>
        %get3A_83 = arith.constant 0 : index
        %get3A_84 = arith.constant 0 : index
        %get3A_85 = vector.load %arg3[%get3A_83, %get3A_84] : memref<1024x1024xf32, #tpu.memory_space<vmem>>, vector<1024x1024xf32>
        %dot_general3A_86 = arith.constant dense<0.000000e+00> : vector<256x1024xf32>
        %dot_general3A_87 = tpu.matmul %get3A_82, %get3A_85, %dot_general3A_86 {dimension_numbers = #tpu.dot_dimension_numbers<[1], [0], [0], [1], [0, 0, 1, 1], [], []>, transpose_lhs_hint = false} : vector<256x1024xf32>, vector<1024x1024xf32>, vector<256x1024xf32> -> vector<256x1024xf32>
        %swap3A_88 = arith.index_cast %mul3A_0 : i32 to index
        %swap3A_89 = arith.constant 0 : index
        %swap3A_90 = vector.load %arg9[%swap3A_88, %swap3A_89] : memref<8192x1024xf32, #tpu.memory_space<vmem>>, vector<256x1024xf32>
        tpu.vector_store %arg9[%swap3A_88, %swap3A_89], %dot_general3A_87 {strides = array<i32>} : memref<8192x1024xf32, #tpu.memory_space<vmem>>, vector<256x1024xf32>,
        %broadcast_in_dim3A_91 = arith.constant -1.000000e+30 : f32
        %broadcast_in_dim3A_92 = vector.broadcast %broadcast_in_dim3A_91 : f32 to vector<256x1xf32>
        %swap3A_93 = arith.index_cast %mul3A_0 : i32 to index
        %swap3A_94 = arith.constant 0 : index
        %swap3A_95 = vector.load %arg10[%swap3A_93, %swap3A_94] : memref<8192x1xf32, #tpu.memory_space<vmem>>, vector<256x1xf32>
        tpu.vector_store %arg10[%swap3A_93, %swap3A_94], %broadcast_in_dim3A_92 {strides = array<i32>} : memref<8192x1xf32, #tpu.memory_space<vmem>>, vector<256x1xf32>,
        %broadcast_in_dim3A_96 = arith.constant 0.000000e+00 : f32
        %broadcast_in_dim3A_97 = vector.broadcast %broadcast_in_dim3A_96 : f32 to vector<256x1xf32>
        %swap3A_98 = arith.index_cast %mul3A_0 : i32 to index
        %swap3A_99 = arith.constant 0 : index
        %swap3A_100 = vector.load %arg11[%swap3A_98, %swap3A_99] : memref<8192x1xf32, #tpu.memory_space<vmem>>, vector<256x1xf32>
        tpu.vector_store %arg11[%swap3A_98, %swap3A_99], %broadcast_in_dim3A_97 {strides = array<i32>} : memref<8192x1xf32, #tpu.memory_space<vmem>>, vector<256x1xf32>,
        %broadcast_in_dim3A_101 = arith.constant 0.000000e+00 : f32
        %broadcast_in_dim3A_102 = vector.broadcast %broadcast_in_dim3A_101 : f32 to vector<256x1xf32>
        %swap3A_103 = arith.index_cast %mul3A_0 : i32 to index
        %swap3A_104 = arith.constant 0 : index
        %swap3A_105 = vector.load %arg12[%swap3A_103, %swap3A_104] : memref<8192x1xf32, #tpu.memory_space<vmem>>, vector<256x1xf32>
        tpu.vector_store %arg12[%swap3A_103, %swap3A_104], %broadcast_in_dim3A_102 {strides = array<i32>} : memref<8192x1xf32, #tpu.memory_space<vmem>>, vector<256x1xf32>,
      } else {
      }
      %get3A_9 = arith.constant 0 : index
      %get3A_10 = arith.constant 0 : index
      %get3A_11 = vector.load %arg6[%get3A_9, %get3A_10] : memref<256x128xi32, #tpu.memory_space<vmem>>, vector<256x1xi32>
      %ge3A = arith.constant 60000 : i32
      %ge3A_12 = vector.broadcast %ge3A : i32 to vector<256x1xi32>
      %ge3A_13 = arith.cmpi sge, %get3A_11, %ge3A_12 : vector<256x1xi32>
      %ge3A_14 = arith.constant 20000 : i32
      %ge3A_15 = vector.broadcast %ge3A_14 : i32 to vector<256x1xi32>
      %ge3A_16 = arith.cmpi sge, %get3A_11, %ge3A_15 : vector<256x1xi32>
      %jit3A = arith.constant 20001 : i32
      %broadcast_in_dim3A = vector.broadcast %jit3A : i32 to vector<256x1xi32>
      %select_n3A = arith.select %ge3A_16, %broadcast_in_dim3A, %get3A_11 : vector<256x1xi1>, vector<256x1xi32>
      %jit3A_17 = arith.constant 20000 : i32
      %broadcast_in_dim3A_18 = vector.broadcast %jit3A_17 : i32 to vector<256x1xi32>
      %select_n3A_19 = arith.select %ge3A_13, %broadcast_in_dim3A_18, %select_n3A : vector<256x1xi1>, vector<256x1xi32>
      %get3A_20 = arith.index_cast %mul3A_0 : i32 to index
      %get3A_21 = arith.constant 0 : index
      %get3A_22 = vector.load %arg9[%get3A_20, %get3A_21] : memref<8192x1024xf32, #tpu.memory_space<vmem>>, vector<256x1024xf32>
      %get3A_23 = arith.constant 0 : index
      %get3A_24 = arith.constant 0 : index
      %get3A_25 = vector.load %arg4[%get3A_23, %get3A_24] : memref<1024x1024xf32, #tpu.memory_space<vmem>>, vector<1024x1024xf32>
      %dot_general3A = arith.constant dense<0.000000e+00> : vector<256x1024xf32>
      %dot_general3A_26 = tpu.matmul %get3A_22, %get3A_25, %dot_general3A {dimension_numbers = #tpu.dot_dimension_numbers<[1], [1], [0], [0], [0, 0, 1, 0], [], []>, transpose_lhs_hint = false} : vector<256x1024xf32>, vector<1024x1024xf32>, vector<256x1024xf32> -> vector<256x1024xf32>
      %get3A_27 = arith.constant 0 : index
      %get3A_28 = arith.constant 0 : index
      %get3A_29 = arith.constant 0 : index
      %get3A_30 = vector.load %arg5[%get3A_27, %get3A_28, %get3A_29] : memref<1x1x1024xf32, #tpu.memory_space<vmem>>, vector<1x1x1024xf32>
      %get3A_31 = vector.shape_cast %get3A_30 : vector<1x1x1024xf32> to vector<1x1024xf32>
      %add3A = vector.broadcast %get3A_31 : vector<1x1024xf32> to vector<256x1024xf32>
      %add3A_32 = arith.addf %dot_general3A_26, %add3A : vector<256x1024xf32>
      %mul3A_33 = arith.constant 1024 : i32
      %mul3A_34 = arith.muli %arg0, %mul3A_33 : i32
      %iota3A = tpu.iota {dimensions = array<i32: 1>} : vector<256x1024xi32>
      %add3A_35 = vector.broadcast %mul3A_34 : i32 to vector<256x1024xi32>
      %add3A_36 = arith.addi %add3A_35, %iota3A : vector<256x1024xi32>
      %get3A_37 = arith.index_cast %mul3A_0 : i32 to index
      %get3A_38 = arith.constant 0 : index
      %get3A_39 = vector.load %arg12[%get3A_37, %get3A_38] : memref<8192x1xf32, #tpu.memory_space<vmem>>, vector<256x1xf32>
      %eq3A_40 = vector.broadcast %select_n3A_19 : vector<256x1xi32> to vector<256x1024xi32>
      %eq3A_41 = arith.cmpi eq, %add3A_36, %eq3A_40 : vector<256x1024xi32>
      %jit3A_42 = arith.constant 0.000000e+00 : f32
      %broadcast_in_dim3A_43 = vector.broadcast %jit3A_42 : f32 to vector<256x1024xf32>
      %select_n3A_44 = arith.select %eq3A_41, %add3A_32, %broadcast_in_dim3A_43 : vector<256x1024xi1>, vector<256x1024xf32>
      %reduce_sum3A = arith.constant dense<0.000000e+00> : vector<256xf32>
      %reduce_sum3A_45 = vector.multi_reduction <add>, %select_n3A_44, %reduce_sum3A [1] : vector<256x1024xf32> to vector<256xf32>
      %broadcast_in_dim3A_46 = vector.shape_cast %reduce_sum3A_45 : vector<256xf32> to vector<256x1xf32>
      %add3A_47 = arith.addf %get3A_39, %broadcast_in_dim3A_46 : vector<256x1xf32>
      %swap3A = arith.index_cast %mul3A_0 : i32 to index
      %swap3A_48 = arith.constant 0 : index
      %swap3A_49 = vector.load %arg12[%swap3A, %swap3A_48] : memref<8192x1xf32, #tpu.memory_space<vmem>>, vector<256x1xf32>
      tpu.vector_store %arg12[%swap3A, %swap3A_48], %add3A_47 {strides = array<i32>} : memref<8192x1xf32, #tpu.memory_space<vmem>>, vector<256x1xf32>,
      %reduce_max3A = arith.constant dense<0xFF800000> : vector<256xf32>
      %reduce_max3A_50 = vector.multi_reduction <maximumf>, %add3A_32, %reduce_max3A [1] : vector<256x1024xf32> to vector<256xf32>
      %broadcast_in_dim3A_51 = vector.shape_cast %reduce_max3A_50 : vector<256xf32> to vector<256x1xf32>
      %get3A_52 = arith.index_cast %mul3A_0 : i32 to index
      %get3A_53 = arith.constant 0 : index
      %get3A_54 = vector.load %arg10[%get3A_52, %get3A_53] : memref<8192x1xf32, #tpu.memory_space<vmem>>, vector<256x1xf32>
      %max3A = arith.maximumf %get3A_54, %broadcast_in_dim3A_51 : vector<256x1xf32>
      %get3A_55 = arith.index_cast %mul3A_0 : i32 to index
      %get3A_56 = arith.constant 0 : index
      %get3A_57 = vector.load %arg11[%get3A_55, %get3A_56] : memref<8192x1xf32, #tpu.memory_space<vmem>>, vector<256x1xf32>
      %get3A_58 = arith.index_cast %mul3A_0 : i32 to index
      %get3A_59 = arith.constant 0 : index
      %get3A_60 = vector.load %arg10[%get3A_58, %get3A_59] : memref<8192x1xf32, #tpu.memory_space<vmem>>, vector<256x1xf32>
      %sub3A = arith.subf %get3A_60, %max3A : vector<256x1xf32>
      %exp3A = math.exp %sub3A : vector<256x1xf32>
      %mul3A_61 = arith.mulf %get3A_57, %exp3A : vector<256x1xf32>
      %sub3A_62 = vector.broadcast %max3A : vector<256x1xf32> to vector<256x1024xf32>
      %sub3A_63 = arith.subf %add3A_32, %sub3A_62 : vector<256x1024xf32>
      %exp3A_64 = math.exp %sub3A_63 : vector<256x1024xf32>
      %reduce_sum3A_65 = arith.constant dense<0.000000e+00> : vector<256xf32>
      %reduce_sum3A_66 = vector.multi_reduction <add>, %exp3A_64, %reduce_sum3A_65 [1] : vector<256x1024xf32> to vector<256xf32>
      %broadcast_in_dim3A_67 = vector.shape_cast %reduce_sum3A_66 : vector<256xf32> to vector<256x1xf32>
      %add3A_68 = arith.addf %mul3A_61, %broadcast_in_dim3A_67 : vector<256x1xf32>
      %swap3A_69 = arith.index_cast %mul3A_0 : i32 to index
      %swap3A_70 = arith.constant 0 : index
      %swap3A_71 = vector.load %arg11[%swap3A_69, %swap3A_70] : memref<8192x1xf32, #tpu.memory_space<vmem>>, vector<256x1xf32>
      tpu.vector_store %arg11[%swap3A_69, %swap3A_70], %add3A_68 {strides = array<i32>} : memref<8192x1xf32, #tpu.memory_space<vmem>>, vector<256x1xf32>,
      %swap3A_72 = arith.index_cast %mul3A_0 : i32 to index
      %swap3A_73 = arith.constant 0 : index
      %swap3A_74 = vector.load %arg10[%swap3A_72, %swap3A_73] : memref<8192x1xf32, #tpu.memory_space<vmem>>, vector<256x1xf32>
      tpu.vector_store %arg10[%swap3A_72, %swap3A_73], %max3A {strides = array<i32>} : memref<8192x1xf32, #tpu.memory_space<vmem>>, vector<256x1xf32>,
      %eq3A_75 = arith.constant 19 : i32
      %eq3A_76 = arith.cmpi eq, %arg0, %eq3A_75 : i32
      %convert_element_type3A_77 = arith.extui %eq3A_76 : i1 to i32
      %cond3A_78 = arith.constant 0 : i32
      %cond3A_79 = arith.cmpi ne, %convert_element_type3A_77, %cond3A_78 : i32
      scf.if %cond3A_79 {
        %get3A_80 = arith.index_cast %mul3A_0 : i32 to index
        %get3A_81 = arith.constant 0 : index
        %get3A_82 = vector.load %arg10[%get3A_80, %get3A_81] : memref<8192x1xf32, #tpu.memory_space<vmem>>, vector<256x1xf32>
        %get3A_83 = arith.index_cast %mul3A_0 : i32 to index
        %get3A_84 = arith.constant 0 : index
        %get3A_85 = vector.load %arg11[%get3A_83, %get3A_84] : memref<8192x1xf32, #tpu.memory_space<vmem>>, vector<256x1xf32>
        %log3A = math.log %get3A_85 : vector<256x1xf32>
        %add3A_86 = arith.addf %get3A_82, %log3A : vector<256x1xf32>
        %get3A_87 = arith.index_cast %mul3A_0 : i32 to index
        %get3A_88 = arith.constant 0 : index
        %get3A_89 = vector.load %arg12[%get3A_87, %get3A_88] : memref<8192x1xf32, #tpu.memory_space<vmem>>, vector<256x1xf32>
        %sub3A_90 = arith.subf %add3A_86, %get3A_89 : vector<256x1xf32>
        %swap3A_91 = arith.index_cast %mul3A_0 : i32 to index
        %swap3A_92 = arith.constant 0 : index
        %swap3A_93 = vector.load %arg8[%swap3A_91, %swap3A_92] : memref<8192x1xf32, #tpu.memory_space<vmem>>, vector<256x1xf32>
        tpu.vector_store %arg8[%swap3A_91, %swap3A_92], %sub3A_90 {strides = array<i32>} : memref<8192x1xf32, #tpu.memory_space<vmem>>, vector<256x1xf32>,
      } else {
      }
    } else {
    }
    return
  }
  func.func @transform_0(%arg0: i32, %arg1: i32) -> (i32, i32) {
    %eq3A = arith.constant 0 : i32
    %eq3A_0 = arith.cmpi eq, %arg0, %eq3A : i32
    %jit3A = arith.constant 0 : i32
    %select_n3A = arith.select %eq3A_0, %arg1, %jit3A : i32
    %c0_i32 = arith.constant 0 : i32
    %c0_i32_1 = arith.constant 0 : i32
    return %select_n3A, %c0_i32 : i32, i32
  }
  func.func @transform_1(%arg0: i32, %arg1: i32) -> (i32, i32) {
    %c0_i32 = arith.constant 0 : i32
    %c0_i32_0 = arith.constant 0 : i32
    %c0_i32_1 = arith.constant 0 : i32
    return %c0_i32, %c0_i32_0 : i32, i32
  }
  func.func @transform_2(%arg0: i32, %arg1: i32) -> (i32, i32) {
    %c0_i32 = arith.constant 0 : i32
    %c0_i32_0 = arith.constant 0 : i32
    return %arg0, %c0_i32 : i32, i32
  }
  func.func @transform_3(%arg0: i32, %arg1: i32) -> (i32, i32, i32) {
    %c0_i32 = arith.constant 0 : i32
    %c0_i32_0 = arith.constant 0 : i32
    %c0_i32_1 = arith.constant 0 : i32
    return %arg0, %c0_i32, %c0_i32_0 : i32, i32, i32
  }
  func.func @transform_4(%arg0: i32, %arg1: i32) -> (i32, i32) {
    %c0_i32 = arith.constant 0 : i32
    %c0_i32_0 = arith.constant 0 : i32
    return %arg1, %c0_i32 : i32, i32
  }
  func.func @transform_5(%arg0: i32, %arg1: i32) -> i32 {
    %c0_i32 = arith.constant 0 : i32
    %c0_i32_0 = arith.constant 0 : i32
    return %c0_i32 : i32
  }
  func.func @transform_6(%arg0: i32, %arg1: i32) -> (i32, i32) {
    %c0_i32 = arith.constant 0 : i32
    %c0_i32_0 = arith.constant 0 : i32
    %c0_i32_1 = arith.constant 0 : i32
    return %c0_i32, %c0_i32_0 : i32, i32
  }
}

module attributes {stable_mosaic.version = 14 : i64} {
  func.func @_combine_body(%arg0: memref<8192x16xf32, #tpu.memory_space<vmem>>, %arg1: memref<8192x16xf32, #tpu.memory_space<vmem>>, %arg2: memref<8192x16xi32, #tpu.memory_space<vmem>>, %arg3: memref<8192x16xf32, #tpu.memory_space<vmem>>) attributes {dimension_semantics = [], scalar_prefetch = 0 : i64, scratch_operands = 0 : i64, tpu.core_type = #tpu.core_type<tc>} {
    %get3A = arith.constant 0 : index
    %get3A_0 = arith.constant 0 : index
    %get3A_1 = vector.load %arg2[%get3A, %get3A_0] : memref<8192x16xi32, #tpu.memory_space<vmem>>, vector<8192x16xi32>
    %get3A_2 = arith.constant 0 : index
    %get3A_3 = arith.constant 0 : index
    %get3A_4 = vector.load %arg0[%get3A_2, %get3A_3] : memref<8192x16xf32, #tpu.memory_space<vmem>>, vector<8192x16xf32>
    %gt3A = arith.constant 0 : i32
    %gt3A_5 = vector.broadcast %gt3A : i32 to vector<8192x16xi32>
    %gt3A_6 = arith.cmpi sgt, %get3A_1, %gt3A_5 : vector<8192x16xi32>
    %get3A_7 = arith.constant 0 : index
    %get3A_8 = arith.constant 0 : index
    %get3A_9 = vector.load %arg1[%get3A_7, %get3A_8] : memref<8192x16xf32, #tpu.memory_space<vmem>>, vector<8192x16xf32>
    %jit3A = arith.constant 0.000000e+00 : f32
    %broadcast_in_dim3A = vector.broadcast %jit3A : f32 to vector<8192x16xf32>
    %select_n3A = arith.select %gt3A_6, %get3A_9, %broadcast_in_dim3A : vector<8192x16xi1>, vector<8192x16xf32>
    %add3A = arith.addf %get3A_4, %select_n3A : vector<8192x16xf32>
    %swap3A = arith.constant 0 : index
    %swap3A_10 = arith.constant 0 : index
    %swap3A_11 = vector.load %arg3[%swap3A, %swap3A_10] : memref<8192x16xf32, #tpu.memory_space<vmem>>, vector<8192x16xf32>
    tpu.vector_store %arg3[%swap3A, %swap3A_10], %add3A {strides = array<i32>} : memref<8192x16xf32, #tpu.memory_space<vmem>>, vector<8192x16xf32>,
    return
  }
}

</mosaic_0001>

<sc_bundles>
// kernel: gather_offload_async_start.1
scs
__scs_entry_jumppad:
0x0: {  	(pc) =	sbr.rel $0x88, $3  }
0x1: {  	(tag) =	ssettag $0x0;
	lr =	simm.s32 $0x1  }
0x2: {  	[smem:$0x3F94] =	sst lr;
	_ =	strace $0xD0000000  }
0x3: {  	_ = 	snop  }
0x4: {  	_ = 	snop  }
0x5: {  	_ = 	snop  }
0x6: {  	_ = 	snop  }
0x7: {  	_ = 	snop  }
__scs_overlays_trampoline_lowered:
0x8: {  	[smem:$0x3FA3] =	sst s0  }
0x9: {  	[smem:$0x3FA4] =	sst s1  }
0xa: {  	[smem:$0x3FA5] =	sst s2  }
0xb: {  	[smem:$0x3FA6] =	sst s3  }
0xc: {  	[smem:$0x3FA7] =	sst s4  }
0xd: {  	[smem:$0x3FA8] =	sst s5  }
0xe: {  	[smem:$0x3FA9] =	sst s6  }
0xf: {  	[smem:$0x3FAA] =	sst s7  }
0x10: {  	[smem:$0x3FAB] =	sst s8  }
0x11: {  	[smem:$0x3FAC] =	sst s9;
	s0 =	simm.s32 @!p0 $0x0  }
0x12: {  	s1 =	sld [smem:$0x3F92];
	s0 =	simm.s32 @p0 $0x1  }
0x13: {  	[smem:$0x3FAD] =	sst s0;
	s0 =	simm.s32 @!p1 $0x0  }
0x14: {  	s2 =	sld [smem:$0x3F91];
	s0 =	simm.s32 @p1 $0x1  }
0x15: {  	[smem:$0x3FAE] =	sst s0;
	s0 =	simm.s32 @!p2 $0x0  }
0x16: {  	s3 =	sld [smem:$0x3FDB];
	s0 =	simm.s32 @p2 $0x1  }
0x17: {  	s4 =	simm.s32 $0x1BF5;
	[smem:$0x3FB0] =	sst s0  }
0x18: {  	s0 =	sld [smem:$0x3F93];
	_ =	swait.ge [sflag:s4], $0x0  }
0x19: {  	s7 =	sld [smem:$0x3F94]  }
0x1a: {  	s8 =	sadd.s32 $0xFFFFE003, lr  }
0x1b: {  	s9 =	sadd.s32 $0xFFFFFEF7, lr;
	s5 =	simm.s32 $0xFFFFFFFF;
	p2 =	slt.u32 s8, $0xFFFFF086  }
0x1c: {  	p1 =	slt.u32 s9, $0xF7A;
	s5 =	simm.s32 @!p2 $0x0  }
0x1d: {  	s5 =	simm.s32 @p1 $0x1;
	p0 =	seq.s32 s7, s2  }
0x1e: {  	s7 =	smul.u32 @!p0 $0xF7A, s2;
	p2 =	seq.s32 @!p0 s5, $0x0  }
0x1f: {  	s9 =	smul.u32 $0xF7A, s1;
	s8 =	simm.s32 @!p0 $0x1BF5;
	p2 =	por !p2, p0  }
0x20: {  	[sflag:s8] =	ssyncset.s32 @!p0 $0xFFFFF086;
	s6 =	sadd.s32 @!p0 s3, s7;
	s7 =	simm.s32 @!p0 $0x108  }
0x21: {  	s3 =	sadd.s32 s3, s9;
	s6 =	sadd.s32 @!p0 $0x88, s6;
	s7 =	simm.s32 @p2 $0x1082  }
0x22: {  	[simem:s7], [sflag:s8] =	dma.local @!p0 [hbm:s6], $0xF7A  }
0x23: {  	s9 =	sor.u32 $0xD0000000, s2;
	s6 =	simm.s32 $0x108;
	_ =	swait.ge @!p0 [sflag:s8], $0x0  }
0x24: {  	s3 =	sadd.s32 $0x88, s3;
	s6 =	simm.s32 @!p1 $0x1082;
	[sflag:s4] =	ssyncset.s32 $0xFFFFF086  }
0x25: {  	[simem:s6], [sflag:s4] =	dma.local [hbm:s3], $0xF7A  }
0x26: {  	[smem:$0x3F94] =	sst s1;
	(tag) =	ssettag s2;
	_ =	strace s9  }
0x27: {  	s1 =	sld [smem:$0x3FA4]  }
0x28: {  	s2 =	sld [smem:$0x3FA5]  }
0x29: {  	s4 =	sld [smem:$0x3FA7]  }
0x2a: {  	p0 =	seq.s32 s5, $0x0;
	s5 =	sld [smem:$0x3FA8]  }
0x2b: {  	s6 =	sld [smem:$0x3FA9]  }
0x2c: {  	s7 =	sld [smem:$0x3FAA]  }
0x2d: {  	s3 =	simm.s32 $0x108;
	s8 =	sld [smem:$0x3FAB]  }
0x2e: {  	s3 =	simm.s32 @!p0 $0x1082;
	s9 =	sld [smem:$0x3FAC]  }
0x2f: {  	lr =	sadd.s32 s0, s3;
	s0 =	sld [smem:$0x3FA3]  }
0x30: {  	s3 =	sld [smem:$0x3FA6]  }
0x31: {  	[smem:$0x3FAF] =	sst s10  }
0x32: {  	s10 =	sld [smem:$0x3FAD];
	_ =	sdelay $0x3  }
0x33: {  	p0 =	seq.s32 s10, $0x1;
	s10 =	sld [smem:$0x3FAF];
	_ =	sdelay $0x3  }
0x34: {  	[smem:$0x3FAF] =	sst s10  }
0x35: {  	s10 =	sld [smem:$0x3FAE];
	_ =	sdelay $0x3  }
0x36: {  	p1 =	seq.s32 s10, $0x1;
	s10 =	sld [smem:$0x3FAF];
	_ =	sdelay $0x3  }
0x37: {  	[smem:$0x3FAF] =	sst s10  }
0x38: {  	s10 =	sld [smem:$0x3FB0]  }
0x39: {  	_ = 	snop;
	(pc) =	sbr.ind lr, $3  }
0x3a: {  	_ = 	snop  }
0x3b: {  	_ = 	snop  }
0x3c: {  	p2 =	seq.s32 s10, $0x1;
	s10 =	sld [smem:$0x3FAF]  }
0x3d: {  	_ =	shalt  }
0x3e: {  	_ =	shalt  }
0x3f: {  	_ =	shalt  }
0x40: {  	_ =	shalt  }
0x41: {  	_ =	shalt  }
0x42: {  	_ =	shalt  }
0x43: {  	_ =	shalt  }
0x44: {  	_ =	shalt  }
0x45: {  	_ =	shalt  }
0x46: {  	_ =	shalt  }
0x47: {  	_ =	shalt  }
0x48: {  	_ =	shalt  }
0x49: {  	_ =	shalt  }
0x4a: {  	_ =	shalt  }
0x4b: {  	_ =	shalt  }
0x4c: {  	_ =	shalt  }
0x4d: {  	_ =	shalt  }
0x4e: {  	_ =	shalt  }
0x4f: {  	_ =	shalt  }
0x50: {  	_ =	shalt  }
0x51: {  	_ =	shalt  }
0x52: {  	_ =	shalt  }
0x53: {  	_ =	shalt  }
0x54: {  	_ =	shalt  }
0x55: {  	_ =	shalt  }
0x56: {  	_ =	shalt  }
0x57: {  	_ =	shalt  }
0x58: {  	_ =	shalt  }
0x59: {  	_ =	shalt  }
0x5a: {  	_ =	shalt  }
0x5b: {  	_ =	shalt  }
0x5c: {  	_ =	shalt  }
0x5d: {  	_ =	shalt  }
0x5e: {  	_ =	shalt  }
0x5f: {  	_ =	shalt  }
0x60: {  	_ =	shalt  }
0x61: {  	_ =	shalt  }
0x62: {  	_ =	shalt  }
0x63: {  	_ =	shalt  }
0x64: {  	_ =	shalt  }
0x65: {  	_ =	shalt  }
0x66: {  	_ =	shalt  }
0x67: {  	_ =	shalt  }
0x68: {  	_ =	shalt  }
0x69: {  	_ =	shalt  }
0x6a: {  	_ =	shalt  }
0x6b: {  	_ =	shalt  }
0x6c: {  	_ =	shalt  }
0x6d: {  	_ =	shalt  }
0x6e: {  	_ =	shalt  }
0x6f: {  	_ =	shalt  }
0x70: {  	_ =	shalt  }
0x71: {  	_ =	shalt  }
0x72: {  	_ =	shalt  }
0x73: {  	_ =	shalt  }
0x74: {  	_ =	shalt  }
0x75: {  	_ =	shalt  }
0x76: {  	_ =	shalt  }
0x77: {  	_ =	shalt  }
0x78: {  	_ =	shalt  }
0x79: {  	_ =	shalt  }
0x7a: {  	_ =	shalt  }
0x7b: {  	_ =	shalt  }
0x7c: {  	_ =	shalt  }
0x7d: {  	_ =	shalt  }
0x7e: {  	_ =	shalt  }
0x7f: {  	_ =	shalt  }
0x80: {  	_ =	shalt  }
0x81: {  	_ =	shalt  }
0x82: {  	_ =	shalt  }
0x83: {  	_ =	shalt  }
0x84: {  	_ =	shalt  }
0x85: {  	_ =	shalt  }
0x86: {  	_ =	shalt  }
0x87: {  	_ =	shalt  }
.Lfunc_end0:
.L_simem_size_0:
called_computation.1_lowered:
.L_overlay_start_0:
0x88: {  	s2 =	sld [smem:$0x3FD9]  }
0x89: {  	s3 =	sld [smem:$0x3FFE];
	_ =	sdelay $0x1  }
0x8a: {  	s1 =	srdreg.scid  }
0x8b: {  	s0 =	sand.u32 $0x1, s1  }
0x8c: {  	s17 =	sshll.u32 s0, $0xA;
	s2 =	sadd.s32 s3, s2  }
0x8d: {  	s2 =	sadd.s32 s2, s17  }
0x8e: {  	[smem:$0x3FBB] =	sst s2  }
0x8f: {  	_ = 	snop  }
0x90: {  	s2 =	sld [smem:$0x3FC8];
	(tm) =	ssettm $0x1  }
0x91: {  	s18 =	sld [smem:$0x3FFB];
	_ =	sdelay $0x3  }
0x92: {  	_ =	strace s18  }
0x93: {  	s3 =	sld [smem:$0x3FFC];
	_ =	sdelay $0x3  }
0x94: {  	_ =	strace s3  }
0x95: {  	s3 =	sld [smem:$0x3FFD];
	_ =	sdelay $0x3  }
0x96: {  	_ =	strace s3  }
0x97: {  	_ =	strace $0x8FFFFFFF  }
0x98: {  	s19 =	sld [smem:$0x3FDB];
	_ =	sdelay $0x1  }
0x99: {  	s4 =	simm.s32 $_scs_section_size  }
0x9a: {  	s5 =	simm.s32 $_size__tile_overlayer_lowered;
	s6 =	simm.s32 $_tile_overlayer_lowered  }
0x9b: {  	s22 =	simm.s32 $0x1BFF;
	s21 =	sshll.u32 s6, $0x1;
	s3 =	sadd.s32 s4, s19  }
0x9c: {  	s7 =	simm.s32 $0x0;
	s20 =	sshll.u32 s5, $0x1;
	s5 =	sadd.s32 s21, s3  }
0x9d: {  	[timem:s7], [sflag:s22] =	dma.local [hbm:s5], s20  }
0x9e: {  	_ =	swait.ge [sflag:s22], s20  }
0x9f: {  	s4 =	ssub.s32 $0x0, s20;
	[sflag:s22] =	ssyncset.done $0x0  }
0xa0: {  	[sflag:s22] =	ssyncadd.s32 s4;
	_ =	sdelay $0x1  }
0xa1: {  	s23 =	simm.s32 $0x1B8B  }
0xa2: {  	_ =	swait.ge [sflag:s23], $0x1  }
0xa3: {  	[sflag:s23] =	ssyncset.done $0x0  }
0xa4: {  	s25 =	simm.s32 $0x1B8E;
	s24 =	sld [smem:$0x3FFE];
	[sflag:s23] =	ssyncadd.s32 $0xFFFFFFFF  }
0xa5: {  	s26 =	simm.s32 $execute0_lowered;
	[smem:$0x3FD2] =	sst s25  }
0xa6: {  	s5 =	sshll.u32 s26, $0x1;
	_ =	strace $0x80000046;
	[dreg:$0x1] =	wrdreg $0xFFFFFFFF  }
0xa7: {  	s28 =	simm.s32 $_size_execute0_lowered;
	s3 =	sadd.s32 s3, s5;
	[dreg:$0x0] =	wrdreg $0x0  }
0xa8: {  	s5 =	sshll.u32 s28, $0x1;
	[dreg:$0x2] =	wrdreg s3  }
0xa9: {  	[dreg:$0x3] =	wrdreg s5  }
0xaa: {  	[dreg:$0x4] =	wrdreg $0xC0  }
0xab: {  	_ =	task [dreg:s7], $0x5FFFF  }
0xac: {  	[dreg:$0x1] =	wrdreg $0xFFFFFFFF  }
0xad: {  	[dreg:$0x0] =	wrdreg $0x60  }
0xae: {  	[dreg:$0x2] =	wrdreg s2  }
0xaf: {  	[dreg:$0x3] =	wrdreg s24  }
0xb0: {  	[dreg:$0x4] =	wrdreg $0xA  }
0xb1: {  	_ =	task.clear_ibuf [dreg:s7], $0x5FFFF;
	_ =	strace $0x90000046  }
0xb2: {  	s29 =	simm.s32 $0xA;
	_ =	strace $0x80000048  }
0xb3: {  	_ =	swait.ge [sflag:s29], $0x1  }
0xb4: {  	[sflag:s29] =	ssyncadd.s32 $0xFFFFFFFF  }
0xb5: {  	_ =	strace $0x90000048  }
0xb6: {  	_ =	sfence  }
0xb7: {  	s30 =	sld [smem:$0x0];
	_ =	sdelay $0x2  }
0xb8: {  	s31 =	sshll.u32 s1, $0xD;
	s1 =	sshrl.u32 s1, $0x2  }
0xb9: {  	s3 =	sand.u32 $0x4000, s31;
	s1 =	sadd.s32 s1, s30  }
0xba: {  	s0 =	sor.u32 s3, s0;
	s1 =	sshll.u32 s1, $0x11  }
0xbb: {  	s0 =	sor.u32 s1, s0  }
0xbc: {  	s0 =	sadd.s32 $0x8F2B, s0  }
0xbd: {  	[sflag:s0] =	ssyncadd.remote.s32 $0x1  }
0xbe: {  	_ =	sfence.sel $0xFFFF  }
0xbf: {  	[dreg:$0x0] =	wrdreg $0xFFFFFFFF;
	(pc) =	sbr.abs _section_cstart, $3  }
0xc0: {  	[dreg:$0x1] =	wrdreg $0xFFFFFFFF  }
0xc1: {  	_ =	task.clear_ibuf [dreg:s7], $0x2FFFF;
	_ =	strace $0x9FFFFFFF  }
0xc2: {  	(tm) =	ssettm $0x7FFFFFFF  }
0xc3: {  	_ =	shalt  }
tec
execute0_lowered:
.L_overlay_start_1:
0x0: {  	(tag) =	ssettag $0x1  }
0x1: {  	s1 =	srdreg.scid;
	s2 =	rddreg [dreg:$0x0]  }
0x2: {  	s0 =	stileid.u32;
	s5 =	rddreg [dreg:$0x1];
	s6 =	simm.s32 $0x1  }
0x3: {  	s9 =	simm.s32 $0x1;
	s10 =	simm.s32 $0x3;
	s1 =	sshll.u32 s1, $0x7  }
0x4: {  	s13 =	simm.s32 $0x0;
	s3 =	sshll.u32 s0, $0x8;
	s4 =	sand.u32 $0x80, s1  }
0x5: {  	s12 =	simm.s32 $0x0;
	s1 =	rddreg [dreg:$0x2];
	s3 =	sor.u32 s3, s4  }
0x6: {  	_ =	strace $0x80000047;
	s4 =	sadd.s32 $0x1600, s5;
	s8 =	ssub.s32 $0x2000, s3  }
.Ltmp0:
0x7: {  	s5 =	sadd.s32 $0x5E00, s5;
	s7 =	sand.u32 $0xF80, s8;
	(pc) =	sbr.rel .LBB2_1-.Ltmp0, $4  }
0x8: {  	[sflag:s6] =	ssyncpa.u1 $0x0;
	s11 =	smov.u32 s3;
	p0 =	sne.s32 s7, $0x0  }
0x9: {  	s8 =	sshrl.u32 s8, $0xC;
	s7 =	simm.s32 $0x2;
	s9 =	simm.s32 @!p0 $0x0  }
0xa: {  	[sflag:s7] =	ssyncpa.u1 $0x0;
	p0 =	por $0x0, $0x0;
	s8 =	sadd.s32 s9, s8  }
0xb: {  	vm0 =	vmmov $0xffff;
	[sflag:s10] =	ssyncpa.u1 $0x0;
	s10 =	simm.s32 $0x0;
	s9 =	sadd.s32 $0x1, s8  }
.LBB2_4:
0xc: {  	v2 =	vnsel vm1, $0x0, v2  }
0xd: {  	vm1 =	vgt.s32 v0, $0x0;
	v2 =	vmin.u32 v2, $0x1FFF  }
0xe: {  	v0 =	vnsel vm1, $0x0, v0  }
0xf: {  	v0 =	vmin.u32 v0, $0x1FFF  }
0x10: {  	[tilespmem:s15], [sflag:$0x1] =	stream.indirect_vreg.gather [hbm4b:s2+s10], $0x1, v1, vm0, $0x4038;
	[tilespmem:$0x200] =	vst v63  }
0x11: {  	(ifvalue) =	ssetifvalue $0x7FFFFFFF  }
0x12: {  	[tilespmem:s16], [sflag:$0x1] =	stream.indirect_vreg.gather [hbm4b:s2+s10], $0x1, v2, vm0, $0x4038;
	[tilespmem:$0x200] =	vst v63  }
0x13: {  	s29 =	sadd.s32 $0x10, s16;
	(ifvalue) =	ssetifvalue $0x7FFFFFFF  }
0x14: {  	[tilespmem:s29], [sflag:$0x1] =	stream.indirect_vreg.gather [hbm4b:s2+s10], $0x1, v0, vm0, $0x4038;
	[tilespmem:$0x200] =	vst v63  }
0x15: {  	_ =	swait.ge [sflag:s6], $0x80  }
0x16: {  	s30 =	sshrl.u32 s13, $0x3;
	[sflag:s6] =	ssyncset.done $0x0  }
0x17: {  	s31 =	sand.u32 $0x7, s13;
	s15 =	sadd.s32 s5, s30;
	[sflag:s6] =	ssyncadd.s32 $0xFFFFFF80  }
0x18: {  	[hbm4b:s15+s31] =	stream.linear.scatter [tilespmem:s14], [sflag:$0x3], $0x80, $0x38;
	[tilespmem:$0x200] =	vst v63  }
.LBB2_5:
0x19: {  	s15 =	sadd.s32 $0x1000, s11  }
0x1a: {  	p2 =	sgt.s32 s15, $0x1FFF  }
0x1b: {  	s15 =	smov.u32 @p2 s3;
	p2 =	sne.s32 s12, s9  }
.Ltmp1:
0x1c: {  	p1 =	slt.u32 s12, $0x2;
	(pc) =	sbr.rel @!p2 .LBB2_6-.Ltmp1, $4  }
0x1d: {  	s14 =	simm.s32 @!p1 $0x3  }
0x1e: {  	s16 =	sadd.s32 $0x1, s12;
	_ =	swait.ge @!p1 [sflag:s14], $0x80  }
0x1f: {  	s13 =	smov.u32 s11;
	p0 =	por !p0, !p0;
	[sflag:s14] =	ssyncset.done @!p1 $0x0  }
0x20: {  	s12 =	smov.u32 s16;
	s11 =	smov.u32 s15;
	[sflag:s14] =	ssyncadd.s32 @!p1 $0xFFFFFF80  }
.LBB2_1:
0x21: {  	p1 =	sge.u32 s12, s8  }
0x22: {  	s14 =	sxor.u32 @!p1 $0xFFFFFFFF, s12  }
0x23: {  	s31 =	sadd.s32 $0xFFFFFFFF, s12;
	s15 =	sshrl.u32 @!p1 s11, $0x3;
	s14 =	sshll.u32 @!p1 s14, $0x7  }
0x24: {  	s16 =	sand.u32 @!p1 $0x7, s11;
	s15 =	sadd.s32 @!p1 s4, s15;
	s14 =	sand.u32 @!p1 $0x80, s14  }
0x25: {  	[tilespmem:s14], [sflag:$0x2] =	stream.linear.gather @!p1 [hbm4b:s15+s16], $0x80, $0x38;
	[tilespmem:$0x200] =	vst v63  }
0x26: {  	p1 =	sge.u32 s31, s8  }
.Ltmp2:
0x27: {  	_ = 	snop;
	(pc) =	sbr.rel @p1 .LBB2_5-.Ltmp2, $1  }
0x28: {  	_ =	sdelay $0x3  }
0x29: {  	s14 =	simm.s32 $0x1  }
0x2a: {  	_ =	swait.ge [sflag:s7], $0x80;
	s14 =	simm.s32 @!p0 $0x0  }
0x2b: {  	[sflag:s7] =	ssyncset.done $0x0;
	s14 =	sshll.u32 s14, $0x7  }
0x2c: {  	[sflag:s7] =	ssyncadd.s32 $0xFFFFFF80;
	(ifvalue) =	ssetifvalue $0x7FFFFFFF;
	v0 =	vld.msk [tilespmem:s14+$0x0 ss:$0x1], $0xffff;
	_ =	sdelay $0x4  }
0x2d: {  	s15 =	sadd.s32 $0x10, s14;
	vm1 =	vgt.s32 v0, $0x0  }
0x2e: {  	v2 =	vld.msk [tilespmem:s15+$0x0 ss:$0x1], $0xffff;
	v1 =	vnsel vm1, $0x0, v0  }
0x2f: {  	v1 =	vmin.u32 v1, $0x1FFF;
	_ =	sdelay $0x1  }
0x30: {  	s16 =	sshll.u32 s12, $0x7;
	s18 =	simm.s32 $0x20  }
0x31: {  	s16 =	sand.u32 $0x80, s16;
	s17 =	sadd.s32 $0x10, s15;
	s15 =	sor.u32 $0x100, s14  }
0x32: {  	s14 =	sor.u32 $0x100, s16;
	s16 =	sadd.s32 $0x10, s15;
	v0 =	vld.msk [tilespmem:s17+$0x0 ss:$0x1], $0xffff;
	vm1 =	vgt.s32 v2, $0x0;
	(ifvalue) =	ssetifvalue $0x7FFFFFFF  }
.LBB2_3:
0x33: {  	[tilespmem:s15], [sflag:$0x1] =	stream.indirect_vreg.gather [hbm4b:s2+s10], $0x1, v1, vm0, $0x4038;
	[tilespmem:$0x200] =	vst v63  }
0x34: {  	s18 =	sadd.s32 $0x10, s18  }
0x35: {  	v2 =	vnsel vm1, $0x0, v2;
	p1 =	slt.u32 s18, $0x70  }
.Ltmp3:
0x36: {  	s15 =	smov.u32 s16;
	v1 =	vmin.u32 v2, $0x1FFF;
	(pc) =	sbr.rel @p1 .LBB2_3-.Ltmp3, $3  }
0x37: {  	_ =	sdelay $0x1  }
0x38: {  	s17 =	sadd.s32 $0x10, s17  }
0x39: {  	vm1 =	vgt.s32 v0, $0x0;
	s16 =	sadd.s32 $0x10, s16;
	v2 =	vmov v0;
	(ifvalue) =	ssetifvalue $0x7FFFFFFF;
	v0 =	vld.msk [tilespmem:s17+$0x0 ss:$0x1], $0xffff  }
.Ltmp4:
0x3a: {  	_ = 	snop;
	(pc) =	sbr.rel .LBB2_4-.Ltmp4, $1  }
0x3b: {  	_ =	sdelay $0x3  }
.LBB2_6:
0x3c: {  	_ =	sfence.sel $0x180000  }
0x3d: {  	s2 =	simm.s32 $0x2;
	[bflag:$0x0] =	sbarrier.arrive $0xFFFF  }
0x3e: {  	s30 =	simm.s32 $0x3;
	[sflag:s2] =	ssyncpa.u1 $0x1  }
0x3f: {  	s31 =	simm.s32 $0x1;
	[sflag:s30] =	ssyncpa.u1 $0x1  }
0x40: {  	[sflag:s31] =	ssyncpa.u1 $0x1  }
0x41: {  	p0 =	sne.s32 s0, $0x0;
	_ =	strace $0x90000047  }
0x42: {  	s0 =	sadd.s32 @!p0 $0x100000, s1;
	[bflag:$0x2] =	sbarrier.arrive $0xFFFF  }
0x43: {  	[sflag:s0] =	ssyncadd.tile.s32 @!p0 $0x1;
	_ =	shalt  }
.Lfunc_end2:
_tile_overlayer_lowered:
.L_overlay_start_2:
0x44: {  	(tag) =	ssettag $0x2  }
0x45: {  	s0 =	rddreg [dreg:$0x0];
	s2 =	stileid.u32  }
0x46: {  	s1 =	rddreg [dreg:$0x1];
	p0 =	sne.s32 s2, $0x0  }
0x47: {  	s3 =	rddreg [dreg:$0x2];
	[bflag:$0x3] =	sbarrier.arrive $0xFFFF;
	s2 =	simm.s32 @!p0 $0x1C01  }
0x48: {  	[timem:s3], [sflag:s2] =	dma.local @!p0 [hbm:s0], s1  }
0x49: {  	s0 =	simm.s32 @!p0 $0x1  }
0x4a: {  	_ =	swait.ge @!p0 [sflag:s0], s1  }
0x4b: {  	s1 =	ssub.s32 @!p0 $0x0, s1;
	[sflag:s0] =	ssyncset.done @!p0 $0x0  }
0x4c: {  	[sflag:s0] =	ssyncadd.s32 @!p0 s1  }
0x4d: {  	[bflag:$0x3] =	sbarrier.arrive $0xFFFF  }
0x4e: {  	_ =	shalt  }

// kernel: gather_offload_async_start
scs
__scs_entry_jumppad:
0x0: {  	(pc) =	sbr.rel $0x88, $3  }
0x1: {  	(tag) =	ssettag $0x0;
	lr =	simm.s32 $0x1  }
0x2: {  	[smem:$0x3F94] =	sst lr;
	_ =	strace $0xD0000000  }
0x3: {  	_ = 	snop  }
0x4: {  	_ = 	snop  }
0x5: {  	_ = 	snop  }
0x6: {  	_ = 	snop  }
0x7: {  	_ = 	snop  }
__scs_overlays_trampoline_lowered:
0x8: {  	[smem:$0x3FA3] =	sst s0  }
0x9: {  	[smem:$0x3FA4] =	sst s1  }
0xa: {  	[smem:$0x3FA5] =	sst s2  }
0xb: {  	[smem:$0x3FA6] =	sst s3  }
0xc: {  	[smem:$0x3FA7] =	sst s4  }
0xd: {  	[smem:$0x3FA8] =	sst s5  }
0xe: {  	[smem:$0x3FA9] =	sst s6  }
0xf: {  	[smem:$0x3FAA] =	sst s7  }
0x10: {  	[smem:$0x3FAB] =	sst s8  }
0x11: {  	[smem:$0x3FAC] =	sst s9;
	s0 =	simm.s32 @!p0 $0x0  }
0x12: {  	s1 =	sld [smem:$0x3F92];
	s0 =	simm.s32 @p0 $0x1  }
0x13: {  	[smem:$0x3FAD] =	sst s0;
	s0 =	simm.s32 @!p1 $0x0  }
0x14: {  	s2 =	sld [smem:$0x3F91];
	s0 =	simm.s32 @p1 $0x1  }
0x15: {  	[smem:$0x3FAE] =	sst s0;
	s0 =	simm.s32 @!p2 $0x0  }
0x16: {  	s3 =	sld [smem:$0x3FDB];
	s0 =	simm.s32 @p2 $0x1  }
0x17: {  	s4 =	simm.s32 $0x1BF5;
	[smem:$0x3FB0] =	sst s0  }
0x18: {  	s0 =	sld [smem:$0x3F93];
	_ =	swait.ge [sflag:s4], $0x0  }
0x19: {  	s7 =	sld [smem:$0x3F94]  }
0x1a: {  	s8 =	sadd.s32 $0xFFFFE003, lr  }
0x1b: {  	s9 =	sadd.s32 $0xFFFFFEF7, lr;
	s5 =	simm.s32 $0xFFFFFFFF;
	p2 =	slt.u32 s8, $0xFFFFF086  }
0x1c: {  	p1 =	slt.u32 s9, $0xF7A;
	s5 =	simm.s32 @!p2 $0x0  }
0x1d: {  	s5 =	simm.s32 @p1 $0x1;
	p0 =	seq.s32 s7, s2  }
0x1e: {  	s7 =	smul.u32 @!p0 $0xF7A, s2;
	p2 =	seq.s32 @!p0 s5, $0x0  }
0x1f: {  	s9 =	smul.u32 $0xF7A, s1;
	s8 =	simm.s32 @!p0 $0x1BF5;
	p2 =	por !p2, p0  }
0x20: {  	[sflag:s8] =	ssyncset.s32 @!p0 $0xFFFFF086;
	s6 =	sadd.s32 @!p0 s3, s7;
	s7 =	simm.s32 @!p0 $0x108  }
0x21: {  	s3 =	sadd.s32 s3, s9;
	s6 =	sadd.s32 @!p0 $0x88, s6;
	s7 =	simm.s32 @p2 $0x1082  }
0x22: {  	[simem:s7], [sflag:s8] =	dma.local @!p0 [hbm:s6], $0xF7A  }
0x23: {  	s9 =	sor.u32 $0xD0000000, s2;
	s6 =	simm.s32 $0x108;
	_ =	swait.ge @!p0 [sflag:s8], $0x0  }
0x24: {  	s3 =	sadd.s32 $0x88, s3;
	s6 =	simm.s32 @!p1 $0x1082;
	[sflag:s4] =	ssyncset.s32 $0xFFFFF086  }
0x25: {  	[simem:s6], [sflag:s4] =	dma.local [hbm:s3], $0xF7A  }
0x26: {  	[smem:$0x3F94] =	sst s1;
	(tag) =	ssettag s2;
	_ =	strace s9  }
0x27: {  	s1 =	sld [smem:$0x3FA4]  }
0x28: {  	s2 =	sld [smem:$0x3FA5]  }
0x29: {  	s4 =	sld [smem:$0x3FA7]  }
0x2a: {  	p0 =	seq.s32 s5, $0x0;
	s5 =	sld [smem:$0x3FA8]  }
0x2b: {  	s6 =	sld [smem:$0x3FA9]  }
0x2c: {  	s7 =	sld [smem:$0x3FAA]  }
0x2d: {  	s3 =	simm.s32 $0x108;
	s8 =	sld [smem:$0x3FAB]  }
0x2e: {  	s3 =	simm.s32 @!p0 $0x1082;
	s9 =	sld [smem:$0x3FAC]  }
0x2f: {  	lr =	sadd.s32 s0, s3;
	s0 =	sld [smem:$0x3FA3]  }
0x30: {  	s3 =	sld [smem:$0x3FA6]  }
0x31: {  	[smem:$0x3FAF] =	sst s10  }
0x32: {  	s10 =	sld [smem:$0x3FAD];
	_ =	sdelay $0x3  }
0x33: {  	p0 =	seq.s32 s10, $0x1;
	s10 =	sld [smem:$0x3FAF];
	_ =	sdelay $0x3  }
0x34: {  	[smem:$0x3FAF] =	sst s10  }
0x35: {  	s10 =	sld [smem:$0x3FAE];
	_ =	sdelay $0x3  }
0x36: {  	p1 =	seq.s32 s10, $0x1;
	s10 =	sld [smem:$0x3FAF];
	_ =	sdelay $0x3  }
0x37: {  	[smem:$0x3FAF] =	sst s10  }
0x38: {  	s10 =	sld [smem:$0x3FB0]  }
0x39: {  	_ = 	snop;
	(pc) =	sbr.ind lr, $3  }
0x3a: {  	_ = 	snop  }
0x3b: {  	_ = 	snop  }
0x3c: {  	p2 =	seq.s32 s10, $0x1;
	s10 =	sld [smem:$0x3FAF]  }
0x3d: {  	_ =	shalt  }
0x3e: {  	_ =	shalt  }
0x3f: {  	_ =	shalt  }
0x40: {  	_ =	shalt  }
0x41: {  	_ =	shalt  }
0x42: {  	_ =	shalt  }
0x43: {  	_ =	shalt  }
0x44: {  	_ =	shalt  }
0x45: {  	_ =	shalt  }
0x46: {  	_ =	shalt  }
0x47: {  	_ =	shalt  }
0x48: {  	_ =	shalt  }
0x49: {  	_ =	shalt  }
0x4a: {  	_ =	shalt  }
0x4b: {  	_ =	shalt  }
0x4c: {  	_ =	shalt  }
0x4d: {  	_ =	shalt  }
0x4e: {  	_ =	shalt  }
0x4f: {  	_ =	shalt  }
0x50: {  	_ =	shalt  }
0x51: {  	_ =	shalt  }
0x52: {  	_ =	shalt  }
0x53: {  	_ =	shalt  }
0x54: {  	_ =	shalt  }
0x55: {  	_ =	shalt  }
0x56: {  	_ =	shalt  }
0x57: {  	_ =	shalt  }
0x58: {  	_ =	shalt  }
0x59: {  	_ =	shalt  }
0x5a: {  	_ =	shalt  }
0x5b: {  	_ =	shalt  }
0x5c: {  	_ =	shalt  }
0x5d: {  	_ =	shalt  }
0x5e: {  	_ =	shalt  }
0x5f: {  	_ =	shalt  }
0x60: {  	_ =	shalt  }
0x61: {  	_ =	shalt  }
0x62: {  	_ =	shalt  }
0x63: {  	_ =	shalt  }
0x64: {  	_ =	shalt  }
0x65: {  	_ =	shalt  }
0x66: {  	_ =	shalt  }
0x67: {  	_ =	shalt  }
0x68: {  	_ =	shalt  }
0x69: {  	_ =	shalt  }
0x6a: {  	_ =	shalt  }
0x6b: {  	_ =	shalt  }
0x6c: {  	_ =	shalt  }
0x6d: {  	_ =	shalt  }
0x6e: {  	_ =	shalt  }
0x6f: {  	_ =	shalt  }
0x70: {  	_ =	shalt  }
0x71: {  	_ =	shalt  }
0x72: {  	_ =	shalt  }
0x73: {  	_ =	shalt  }
0x74: {  	_ =	shalt  }
0x75: {  	_ =	shalt  }
0x76: {  	_ =	shalt  }
0x77: {  	_ =	shalt  }
0x78: {  	_ =	shalt  }
0x79: {  	_ =	shalt  }
0x7a: {  	_ =	shalt  }
0x7b: {  	_ =	shalt  }
0x7c: {  	_ =	shalt  }
0x7d: {  	_ =	shalt  }
0x7e: {  	_ =	shalt  }
0x7f: {  	_ =	shalt  }
0x80: {  	_ =	shalt  }
0x81: {  	_ =	shalt  }
0x82: {  	_ =	shalt  }
0x83: {  	_ =	shalt  }
0x84: {  	_ =	shalt  }
0x85: {  	_ =	shalt  }
0x86: {  	_ =	shalt  }
0x87: {  	_ =	shalt  }
.Lfunc_end0:
.L_simem_size_0:
called_computation_lowered:
.L_overlay_start_0:
0x88: {  	s2 =	sld [smem:$0x3FD9]  }
0x89: {  	s3 =	sld [smem:$0x3FFE];
	_ =	sdelay $0x1  }
0x8a: {  	s1 =	srdreg.scid  }
0x8b: {  	s0 =	sand.u32 $0x1, s1  }
0x8c: {  	s17 =	sshll.u32 s0, $0xA;
	s2 =	sadd.s32 s3, s2  }
0x8d: {  	s2 =	sadd.s32 s2, s17  }
0x8e: {  	[smem:$0x3FBB] =	sst s2  }
0x8f: {  	_ = 	snop  }
0x90: {  	s18 =	sld [smem:$0x3FC8];
	(tm) =	ssettm $0x1  }
0x91: {  	s19 =	sld [smem:$0x3FFB];
	_ =	sdelay $0x3  }
0x92: {  	_ =	strace s19  }
0x93: {  	s2 =	sld [smem:$0x3FFC];
	_ =	sdelay $0x3  }
0x94: {  	_ =	strace s2  }
0x95: {  	s2 =	sld [smem:$0x3FFD];
	_ =	sdelay $0x3  }
0x96: {  	_ =	strace s2  }
0x97: {  	_ =	strace $0x8FFFFFFF  }
0x98: {  	s20 =	sld [smem:$0x3FDB];
	_ =	sdelay $0x1  }
0x99: {  	s4 =	simm.s32 $_scs_section_size  }
0x9a: {  	s5 =	simm.s32 $_size__tile_overlayer_lowered;
	s6 =	simm.s32 $_tile_overlayer_lowered  }
0x9b: {  	s7 =	simm.s32 $0x1BFF;
	s21 =	sshll.u32 s6, $0x1;
	s4 =	sadd.s32 s4, s20  }
0x9c: {  	s22 =	simm.s32 $0x0;
	s5 =	sshll.u32 s5, $0x1;
	s6 =	sadd.s32 s21, s4  }
0x9d: {  	[timem:s22], [sflag:s7] =	dma.local [hbm:s6], s5  }
0x9e: {  	_ =	swait.ge [sflag:s7], s5  }
0x9f: {  	s5 =	ssub.s32 $0x0, s5;
	[sflag:s7] =	ssyncset.done $0x0  }
0xa0: {  	[sflag:s7] =	ssyncadd.s32 s5;
	_ =	sdelay $0x1  }
0xa1: {  	s23 =	simm.s32 $0x1B8B  }
0xa2: {  	_ =	swait.ge [sflag:s23], $0x1  }
0xa3: {  	[sflag:s23] =	ssyncset.done $0x0  }
0xa4: {  	[sflag:s23] =	ssyncadd.s32 $0xFFFFFFFF  }
0xa5: {  	s5 =	sld [smem:$0x0]  }
0xa6: {  	s6 =	sand.u32 $0xFFFFFFFE, s1  }
0xa7: {  	p0 =	sne.s32 s1, s6  }
0xa8: {  	s6 =	sshll.u32 @p0 s6, $0xE  }
0xa9: {  	s6 =	sadd.s32 @p0 $0x11B8D, s6;
	s7 =	sshll.u32 @p0 s5, $0x11  }
0xaa: {  	s6 =	sor.u32 @p0 s7, s6  }
0xab: {  	[sflag:s6] =	ssyncadd.remote.s32 @p0 $0x1;
	_ =	sdelay $0x1  }
0xac: {  	s6 =	simm.s32 @p0 $0x1B8D  }
0xad: {  	_ =	swait.eq @p0 [sflag:s6], $0x1  }
0xae: {  	[sflag:s6] =	ssyncadd.s32 @p0 $0xFFFFFFFF  }
0xaf: {  	s7 =	sshll.u32 @!p0 s1, $0xE  }
0xb0: {  	s7 =	sor.u32 @!p0 $0x4000, s7;
	s6 =	simm.s32 @!p0 $0x1B8D  }
0xb1: {  	s5 =	sshll.u32 @!p0 s5, $0x11;
	s7 =	sadd.s32 @!p0 $0x11B8D, s7;
	_ =	swait.eq @!p0 [sflag:s6], $0x1  }
0xb2: {  	s5 =	sor.u32 @!p0 s5, s7;
	[sflag:s6] =	ssyncadd.s32 @!p0 $0xFFFFFFFF  }
0xb3: {  	s25 =	simm.s32 $0x1B8E;
	s24 =	sld [smem:$0x3FFE];
	[sflag:s5] =	ssyncadd.remote.s32 @!p0 $0x1  }
0xb4: {  	s26 =	simm.s32 $execute0_lowered;
	[smem:$0x3FD2] =	sst s25  }
0xb5: {  	s6 =	sshll.u32 s26, $0x1;
	_ =	strace $0x80000049;
	[dreg:$0x1] =	wrdreg $0xFFFFFFFF  }
0xb6: {  	s28 =	simm.s32 $_size_execute0_lowered;
	s4 =	sadd.s32 s4, s6;
	[dreg:$0x0] =	wrdreg $0x0  }
0xb7: {  	s6 =	sshll.u32 s28, $0x1;
	[dreg:$0x2] =	wrdreg s4  }
0xb8: {  	[dreg:$0x3] =	wrdreg s6  }
0xb9: {  	[dreg:$0x4] =	wrdreg $0xC0  }
0xba: {  	_ =	task [dreg:s22], $0x5FFFF  }
0xbb: {  	[dreg:$0x1] =	wrdreg $0xFFFFFFFF  }
0xbc: {  	[dreg:$0x0] =	wrdreg $0x60  }
0xbd: {  	[dreg:$0x2] =	wrdreg s18  }
0xbe: {  	[dreg:$0x3] =	wrdreg s24  }
0xbf: {  	[dreg:$0x4] =	wrdreg $0x9  }
0xc0: {  	_ =	task.clear_ibuf [dreg:s22], $0x5FFFF;
	_ =	strace $0x90000049  }
0xc1: {  	s29 =	simm.s32 $0x9;
	_ =	strace $0x8000004B  }
0xc2: {  	_ =	swait.ge [sflag:s29], $0x1  }
0xc3: {  	[sflag:s29] =	ssyncadd.s32 $0xFFFFFFFF  }
0xc4: {  	_ =	strace $0x9000004B  }
0xc5: {  	_ =	sfence  }
0xc6: {  	s30 =	sld [smem:$0x0];
	_ =	sdelay $0x2  }
0xc7: {  	s31 =	sshll.u32 s1, $0xD;
	s1 =	sshrl.u32 s1, $0x2  }
0xc8: {  	s4 =	sand.u32 $0x4000, s31;
	s1 =	sadd.s32 s1, s30  }
0xc9: {  	s0 =	sor.u32 s4, s0;
	s1 =	sshll.u32 s1, $0x11  }
0xca: {  	s0 =	sor.u32 s1, s0  }
0xcb: {  	s0 =	sadd.s32 $0x8F2B, s0  }
0xcc: {  	[sflag:s0] =	ssyncadd.remote.s32 $0x1  }
0xcd: {  	_ =	sfence.sel $0xFFFF  }
0xce: {  	[dreg:$0x0] =	wrdreg $0xFFFFFFFF;
	(pc) =	sbr.abs _section_cstart, $3  }
0xcf: {  	[dreg:$0x1] =	wrdreg $0xFFFFFFFF  }
0xd0: {  	_ =	task.clear_ibuf [dreg:s22], $0x2FFFF;
	_ =	strace $0x9FFFFFFF  }
0xd1: {  	(tm) =	ssettm $0x7FFFFFFF  }
tec
execute0_lowered:
.L_overlay_start_1:
0x0: {  	(tag) =	ssettag $0x1  }
0x1: {  	s1 =	srdreg.scid;
	s2 =	rddreg [dreg:$0x0]  }
0x2: {  	s0 =	stileid.u32;
	s5 =	rddreg [dreg:$0x1];
	s6 =	simm.s32 $0x1  }
0x3: {  	s9 =	simm.s32 $0x1;
	s10 =	simm.s32 $0x3;
	s1 =	sshll.u32 s1, $0x7  }
0x4: {  	s13 =	simm.s32 $0x0;
	s3 =	sshll.u32 s0, $0x8;
	s4 =	sand.u32 $0x80, s1  }
0x5: {  	s12 =	simm.s32 $0x0;
	s1 =	rddreg [dreg:$0x2];
	s3 =	sor.u32 s3, s4  }
0x6: {  	_ =	strace $0x8000004A;
	s4 =	sadd.s32 $0x1A00, s5;
	s8 =	ssub.s32 $0x2000, s3  }
.Ltmp0:
0x7: {  	s5 =	sadd.s32 $0x66200, s5;
	s7 =	sand.u32 $0xF80, s8;
	(pc) =	sbr.rel .LBB2_1-.Ltmp0, $4  }
0x8: {  	[sflag:s6] =	ssyncpa.u1 $0x0;
	s11 =	smov.u32 s3;
	p0 =	sne.s32 s7, $0x0  }
0x9: {  	s8 =	sshrl.u32 s8, $0xC;
	s7 =	simm.s32 $0x2;
	s9 =	simm.s32 @!p0 $0x0  }
0xa: {  	[sflag:s7] =	ssyncpa.u1 $0x0;
	p0 =	por $0x0, $0x0;
	s8 =	sadd.s32 s9, s8  }
0xb: {  	vm0 =	vmmov $0xffff;
	[sflag:s10] =	ssyncpa.u1 $0x0;
	s10 =	simm.s32 $0x0;
	s9 =	sadd.s32 $0x1, s8  }
.LBB2_4:
0xc: {  	v2 =	vnsel vm1, $0x0, v2  }
0xd: {  	vm1 =	vgt.s32 v0, $0x0;
	v2 =	vmin.u32 v2, $0x1FFF  }
0xe: {  	v0 =	vnsel vm1, $0x0, v0  }
0xf: {  	v0 =	vmin.u32 v0, $0x1FFF  }
0x10: {  	[tilespmem:s15], [sflag:$0x1] =	stream.indirect_vreg.gather [hbm4b:s2+s10], $0x1, v1, vm0, $0x4038;
	[tilespmem:$0x200] =	vst v63  }
0x11: {  	(ifvalue) =	ssetifvalue $0x7FFFFFFF  }
0x12: {  	[tilespmem:s16], [sflag:$0x1] =	stream.indirect_vreg.gather [hbm4b:s2+s10], $0x1, v2, vm0, $0x4038;
	[tilespmem:$0x200] =	vst v63  }
0x13: {  	s29 =	sadd.s32 $0x10, s16;
	(ifvalue) =	ssetifvalue $0x7FFFFFFF  }
0x14: {  	[tilespmem:s29], [sflag:$0x1] =	stream.indirect_vreg.gather [hbm4b:s2+s10], $0x1, v0, vm0, $0x4038;
	[tilespmem:$0x200] =	vst v63  }
0x15: {  	_ =	swait.ge [sflag:s6], $0x80  }
0x16: {  	s30 =	sshrl.u32 s13, $0x3;
	[sflag:s6] =	ssyncset.done $0x0  }
0x17: {  	s31 =	sand.u32 $0x7, s13;
	s15 =	sadd.s32 s5, s30;
	[sflag:s6] =	ssyncadd.s32 $0xFFFFFF80  }
0x18: {  	[hbm4b:s15+s31] =	stream.linear.scatter [tilespmem:s14], [sflag:$0x3], $0x80, $0x38;
	[tilespmem:$0x200] =	vst v63  }
.LBB2_5:
0x19: {  	s15 =	sadd.s32 $0x1000, s11  }
0x1a: {  	p2 =	sgt.s32 s15, $0x1FFF  }
0x1b: {  	s15 =	smov.u32 @p2 s3;
	p2 =	sne.s32 s12, s9  }
.Ltmp1:
0x1c: {  	p1 =	slt.u32 s12, $0x2;
	(pc) =	sbr.rel @!p2 .LBB2_6-.Ltmp1, $4  }
0x1d: {  	s14 =	simm.s32 @!p1 $0x3  }
0x1e: {  	s16 =	sadd.s32 $0x1, s12;
	_ =	swait.ge @!p1 [sflag:s14], $0x80  }
0x1f: {  	s13 =	smov.u32 s11;
	p0 =	por !p0, !p0;
	[sflag:s14] =	ssyncset.done @!p1 $0x0  }
0x20: {  	s12 =	smov.u32 s16;
	s11 =	smov.u32 s15;
	[sflag:s14] =	ssyncadd.s32 @!p1 $0xFFFFFF80  }
.LBB2_1:
0x21: {  	p1 =	sge.u32 s12, s8  }
0x22: {  	s14 =	sxor.u32 @!p1 $0xFFFFFFFF, s12  }
0x23: {  	s31 =	sadd.s32 $0xFFFFFFFF, s12;
	s15 =	sshrl.u32 @!p1 s11, $0x3;
	s14 =	sshll.u32 @!p1 s14, $0x7  }
0x24: {  	s16 =	sand.u32 @!p1 $0x7, s11;
	s15 =	sadd.s32 @!p1 s4, s15;
	s14 =	sand.u32 @!p1 $0x80, s14  }
0x25: {  	[tilespmem:s14], [sflag:$0x2] =	stream.linear.gather @!p1 [hbm4b:s15+s16], $0x80, $0x38;
	[tilespmem:$0x200] =	vst v63  }
0x26: {  	p1 =	sge.u32 s31, s8  }
.Ltmp2:
0x27: {  	_ = 	snop;
	(pc) =	sbr.rel @p1 .LBB2_5-.Ltmp2, $1  }
0x28: {  	_ =	sdelay $0x3  }
0x29: {  	s14 =	simm.s32 $0x1  }
0x2a: {  	_ =	swait.ge [sflag:s7], $0x80;
	s14 =	simm.s32 @!p0 $0x0  }
0x2b: {  	[sflag:s7] =	ssyncset.done $0x0;
	s14 =	sshll.u32 s14, $0x7  }
0x2c: {  	[sflag:s7] =	ssyncadd.s32 $0xFFFFFF80;
	(ifvalue) =	ssetifvalue $0x7FFFFFFF;
	v0 =	vld.msk [tilespmem:s14+$0x0 ss:$0x1], $0xffff;
	_ =	sdelay $0x4  }
0x2d: {  	s15 =	sadd.s32 $0x10, s14;
	vm1 =	vgt.s32 v0, $0x0  }
0x2e: {  	v2 =	vld.msk [tilespmem:s15+$0x0 ss:$0x1], $0xffff;
	v1 =	vnsel vm1, $0x0, v0  }
0x2f: {  	v1 =	vmin.u32 v1, $0x1FFF;
	_ =	sdelay $0x1  }
0x30: {  	s16 =	sshll.u32 s12, $0x7;
	s18 =	simm.s32 $0x20  }
0x31: {  	s16 =	sand.u32 $0x80, s16;
	s17 =	sadd.s32 $0x10, s15;
	s15 =	sor.u32 $0x100, s14  }
0x32: {  	s14 =	sor.u32 $0x100, s16;
	s16 =	sadd.s32 $0x10, s15;
	v0 =	vld.msk [tilespmem:s17+$0x0 ss:$0x1], $0xffff;
	vm1 =	vgt.s32 v2, $0x0;
	(ifvalue) =	ssetifvalue $0x7FFFFFFF  }
.LBB2_3:
0x33: {  	[tilespmem:s15], [sflag:$0x1] =	stream.indirect_vreg.gather [hbm4b:s2+s10], $0x1, v1, vm0, $0x4038;
	[tilespmem:$0x200] =	vst v63  }
0x34: {  	s18 =	sadd.s32 $0x10, s18  }
0x35: {  	v2 =	vnsel vm1, $0x0, v2;
	p1 =	slt.u32 s18, $0x70  }
.Ltmp3:
0x36: {  	s15 =	smov.u32 s16;
	v1 =	vmin.u32 v2, $0x1FFF;
	(pc) =	sbr.rel @p1 .LBB2_3-.Ltmp3, $3  }
0x37: {  	_ =	sdelay $0x1  }
0x38: {  	s17 =	sadd.s32 $0x10, s17  }
0x39: {  	vm1 =	vgt.s32 v0, $0x0;
	s16 =	sadd.s32 $0x10, s16;
	v2 =	vmov v0;
	(ifvalue) =	ssetifvalue $0x7FFFFFFF;
	v0 =	vld.msk [tilespmem:s17+$0x0 ss:$0x1], $0xffff  }
.Ltmp4:
0x3a: {  	_ = 	snop;
	(pc) =	sbr.rel .LBB2_4-.Ltmp4, $1  }
0x3b: {  	_ =	sdelay $0x3  }
.LBB2_6:
0x3c: {  	_ =	sfence.sel $0x180000  }
0x3d: {  	s2 =	simm.s32 $0x2;
	[bflag:$0x0] =	sbarrier.arrive $0xFFFF  }
0x3e: {  	s30 =	simm.s32 $0x3;
	[sflag:s2] =	ssyncpa.u1 $0x1  }
0x3f: {  	s31 =	simm.s32 $0x1;
	[sflag:s30] =	ssyncpa.u1 $0x1  }
0x40: {  	[sflag:s31] =	ssyncpa.u1 $0x1  }
0x41: {  	p0 =	sne.s32 s0, $0x0;
	_ =	strace $0x9000004A  }
0x42: {  	s0 =	sadd.s32 @!p0 $0x100000, s1;
	[bflag:$0x2] =	sbarrier.arrive $0xFFFF  }
0x43: {  	[sflag:s0] =	ssyncadd.tile.s32 @!p0 $0x1;
	_ =	shalt  }
.Lfunc_end2:
_tile_overlayer_lowered:
.L_overlay_start_2:
0x44: {  	(tag) =	ssettag $0x2  }
0x45: {  	s0 =	rddreg [dreg:$0x0];
	s2 =	stileid.u32  }
0x46: {  	s1 =	rddreg [dreg:$0x1];
	p0 =	sne.s32 s2, $0x0  }
0x47: {  	s3 =	rddreg [dreg:$0x2];
	[bflag:$0x3] =	sbarrier.arrive $0xFFFF;
	s2 =	simm.s32 @!p0 $0x1C01  }
0x48: {  	[timem:s3], [sflag:s2] =	dma.local @!p0 [hbm:s0], s1  }
0x49: {  	s0 =	simm.s32 @!p0 $0x1  }
0x4a: {  	_ =	swait.ge @!p0 [sflag:s0], s1  }
0x4b: {  	s1 =	ssub.s32 @!p0 $0x0, s1;
	[sflag:s0] =	ssyncset.done @!p0 $0x0  }
0x4c: {  	[sflag:s0] =	ssyncadd.s32 @!p0 s1  }
0x4d: {  	[bflag:$0x3] =	sbarrier.arrive $0xFFFF  }
0x4e: {  	_ =	shalt  }

// kernel: kernel.12.cloned.1.call-start
scs
__scs_entry_jumppad:
0x0: {  	(pc) =	sbr.rel $0x88, $3  }
0x1: {  	(tag) =	ssettag $0x0;
	lr =	simm.s32 $0x1  }
0x2: {  	[smem:$0x3F94] =	sst lr;
	_ =	strace $0xD0000000  }
0x3: {  	_ = 	snop  }
0x4: {  	_ = 	snop  }
0x5: {  	_ = 	snop  }
0x6: {  	_ = 	snop  }
0x7: {  	_ = 	snop  }
__scs_overlays_trampoline_lowered:
0x8: {  	[smem:$0x3FA3] =	sst s0  }
0x9: {  	[smem:$0x3FA4] =	sst s1  }
0xa: {  	[smem:$0x3FA5] =	sst s2  }
0xb: {  	[smem:$0x3FA6] =	sst s3  }
0xc: {  	[smem:$0x3FA7] =	sst s4  }
0xd: {  	[smem:$0x3FA8] =	sst s5  }
0xe: {  	[smem:$0x3FA9] =	sst s6  }
0xf: {  	[smem:$0x3FAA] =	sst s7  }
0x10: {  	[smem:$0x3FAB] =	sst s8  }
0x11: {  	[smem:$0x3FAC] =	sst s9;
	s0 =	simm.s32 @!p0 $0x0  }
0x12: {  	s1 =	sld [smem:$0x3F92];
	s0 =	simm.s32 @p0 $0x1  }
0x13: {  	[smem:$0x3FAD] =	sst s0;
	s0 =	simm.s32 @!p1 $0x0  }
0x14: {  	s2 =	sld [smem:$0x3F91];
	s0 =	simm.s32 @p1 $0x1  }
0x15: {  	[smem:$0x3FAE] =	sst s0;
	s0 =	simm.s32 @!p2 $0x0  }
0x16: {  	s3 =	sld [smem:$0x3FDB];
	s0 =	simm.s32 @p2 $0x1  }
0x17: {  	s4 =	simm.s32 $0x1BF5;
	[smem:$0x3FB0] =	sst s0  }
0x18: {  	s0 =	sld [smem:$0x3F93];
	_ =	swait.ge [sflag:s4], $0x0  }
0x19: {  	s7 =	sld [smem:$0x3F94]  }
0x1a: {  	s8 =	sadd.s32 $0xFFFFE003, lr  }
0x1b: {  	s9 =	sadd.s32 $0xFFFFFEF7, lr;
	s5 =	simm.s32 $0xFFFFFFFF;
	p2 =	slt.u32 s8, $0xFFFFF086  }
0x1c: {  	p1 =	slt.u32 s9, $0xF7A;
	s5 =	simm.s32 @!p2 $0x0  }
0x1d: {  	s5 =	simm.s32 @p1 $0x1;
	p0 =	seq.s32 s7, s2  }
0x1e: {  	s7 =	smul.u32 @!p0 $0xF7A, s2;
	p2 =	seq.s32 @!p0 s5, $0x0  }
0x1f: {  	s9 =	smul.u32 $0xF7A, s1;
	s8 =	simm.s32 @!p0 $0x1BF5;
	p2 =	por !p2, p0  }
0x20: {  	[sflag:s8] =	ssyncset.s32 @!p0 $0xFFFFF086;
	s6 =	sadd.s32 @!p0 s3, s7;
	s7 =	simm.s32 @!p0 $0x108  }
0x21: {  	s3 =	sadd.s32 s3, s9;
	s6 =	sadd.s32 @!p0 $0x88, s6;
	s7 =	simm.s32 @p2 $0x1082  }
0x22: {  	[simem:s7], [sflag:s8] =	dma.local @!p0 [hbm:s6], $0xF7A  }
0x23: {  	s9 =	sor.u32 $0xD0000000, s2;
	s6 =	simm.s32 $0x108;
	_ =	swait.ge @!p0 [sflag:s8], $0x0  }
0x24: {  	s3 =	sadd.s32 $0x88, s3;
	s6 =	simm.s32 @!p1 $0x1082;
	[sflag:s4] =	ssyncset.s32 $0xFFFFF086  }
0x25: {  	[simem:s6], [sflag:s4] =	dma.local [hbm:s3], $0xF7A  }
0x26: {  	[smem:$0x3F94] =	sst s1;
	(tag) =	ssettag s2;
	_ =	strace s9  }
0x27: {  	s1 =	sld [smem:$0x3FA4]  }
0x28: {  	s2 =	sld [smem:$0x3FA5]  }
0x29: {  	s4 =	sld [smem:$0x3FA7]  }
0x2a: {  	p0 =	seq.s32 s5, $0x0;
	s5 =	sld [smem:$0x3FA8]  }
0x2b: {  	s6 =	sld [smem:$0x3FA9]  }
0x2c: {  	s7 =	sld [smem:$0x3FAA]  }
0x2d: {  	s3 =	simm.s32 $0x108;
	s8 =	sld [smem:$0x3FAB]  }
0x2e: {  	s3 =	simm.s32 @!p0 $0x1082;
	s9 =	sld [smem:$0x3FAC]  }
0x2f: {  	lr =	sadd.s32 s0, s3;
	s0 =	sld [smem:$0x3FA3]  }
0x30: {  	s3 =	sld [smem:$0x3FA6]  }
0x31: {  	[smem:$0x3FAF] =	sst s10  }
0x32: {  	s10 =	sld [smem:$0x3FAD];
	_ =	sdelay $0x3  }
0x33: {  	p0 =	seq.s32 s10, $0x1;
	s10 =	sld [smem:$0x3FAF];
	_ =	sdelay $0x3  }
0x34: {  	[smem:$0x3FAF] =	sst s10  }
0x35: {  	s10 =	sld [smem:$0x3FAE];
	_ =	sdelay $0x3  }
0x36: {  	p1 =	seq.s32 s10, $0x1;
	s10 =	sld [smem:$0x3FAF];
	_ =	sdelay $0x3  }
0x37: {  	[smem:$0x3FAF] =	sst s10  }
0x38: {  	s10 =	sld [smem:$0x3FB0]  }
0x39: {  	_ = 	snop;
	(pc) =	sbr.ind lr, $3  }
0x3a: {  	_ = 	snop  }
0x3b: {  	_ = 	snop  }
0x3c: {  	p2 =	seq.s32 s10, $0x1;
	s10 =	sld [smem:$0x3FAF]  }
0x3d: {  	_ =	shalt  }
0x3e: {  	_ =	shalt  }
0x3f: {  	_ =	shalt  }
0x40: {  	_ =	shalt  }
0x41: {  	_ =	shalt  }
0x42: {  	_ =	shalt  }
0x43: {  	_ =	shalt  }
0x44: {  	_ =	shalt  }
0x45: {  	_ =	shalt  }
0x46: {  	_ =	shalt  }
0x47: {  	_ =	shalt  }
0x48: {  	_ =	shalt  }
0x49: {  	_ =	shalt  }
0x4a: {  	_ =	shalt  }
0x4b: {  	_ =	shalt  }
0x4c: {  	_ =	shalt  }
0x4d: {  	_ =	shalt  }
0x4e: {  	_ =	shalt  }
0x4f: {  	_ =	shalt  }
0x50: {  	_ =	shalt  }
0x51: {  	_ =	shalt  }
0x52: {  	_ =	shalt  }
0x53: {  	_ =	shalt  }
0x54: {  	_ =	shalt  }
0x55: {  	_ =	shalt  }
0x56: {  	_ =	shalt  }
0x57: {  	_ =	shalt  }
0x58: {  	_ =	shalt  }
0x59: {  	_ =	shalt  }
0x5a: {  	_ =	shalt  }
0x5b: {  	_ =	shalt  }
0x5c: {  	_ =	shalt  }
0x5d: {  	_ =	shalt  }
0x5e: {  	_ =	shalt  }
0x5f: {  	_ =	shalt  }
0x60: {  	_ =	shalt  }
0x61: {  	_ =	shalt  }
0x62: {  	_ =	shalt  }
0x63: {  	_ =	shalt  }
0x64: {  	_ =	shalt  }
0x65: {  	_ =	shalt  }
0x66: {  	_ =	shalt  }
0x67: {  	_ =	shalt  }
0x68: {  	_ =	shalt  }
0x69: {  	_ =	shalt  }
0x6a: {  	_ =	shalt  }
0x6b: {  	_ =	shalt  }
0x6c: {  	_ =	shalt  }
0x6d: {  	_ =	shalt  }
0x6e: {  	_ =	shalt  }
0x6f: {  	_ =	shalt  }
0x70: {  	_ =	shalt  }
0x71: {  	_ =	shalt  }
0x72: {  	_ =	shalt  }
0x73: {  	_ =	shalt  }
0x74: {  	_ =	shalt  }
0x75: {  	_ =	shalt  }
0x76: {  	_ =	shalt  }
0x77: {  	_ =	shalt  }
0x78: {  	_ =	shalt  }
0x79: {  	_ =	shalt  }
0x7a: {  	_ =	shalt  }
0x7b: {  	_ =	shalt  }
0x7c: {  	_ =	shalt  }
0x7d: {  	_ =	shalt  }
0x7e: {  	_ =	shalt  }
0x7f: {  	_ =	shalt  }
0x80: {  	_ =	shalt  }
0x81: {  	_ =	shalt  }
0x82: {  	_ =	shalt  }
0x83: {  	_ =	shalt  }
0x84: {  	_ =	shalt  }
0x85: {  	_ =	shalt  }
0x86: {  	_ =	shalt  }
0x87: {  	_ =	shalt  }
.Lfunc_end0:
.L_simem_size_0:
called_computation.3_lowered:
.L_overlay_start_0:
0x88: {  	s2 =	sld [smem:$0x3FD9]  }
0x89: {  	s3 =	sld [smem:$0x3FFE];
	_ =	sdelay $0x1  }
0x8a: {  	s1 =	srdreg.scid  }
0x8b: {  	s0 =	sand.u32 $0x1, s1  }
0x8c: {  	s16 =	sshll.u32 s0, $0xA;
	s2 =	sadd.s32 s3, s2  }
0x8d: {  	s2 =	sadd.s32 s2, s16  }
0x8e: {  	[smem:$0x3FBB] =	sst s2  }
0x8f: {  	_ = 	snop  }
0x90: {  	(tm) =	ssettm $0x1  }
0x91: {  	s17 =	sld [smem:$0x3FFB];
	_ =	sdelay $0x3  }
0x92: {  	_ =	strace s17  }
0x93: {  	s2 =	sld [smem:$0x3FFC];
	_ =	sdelay $0x3  }
0x94: {  	_ =	strace s2  }
0x95: {  	s2 =	sld [smem:$0x3FFD];
	_ =	sdelay $0x3  }
0x96: {  	_ =	strace s2  }
0x97: {  	_ =	strace $0x8FFFFFFF  }
0x98: {  	s18 =	sld [smem:$0x3FDB];
	_ =	sdelay $0x1  }
0x99: {  	s19 =	simm.s32 $_scs_section_size  }
0x9a: {  	s4 =	simm.s32 $_size__tile_overlayer_lowered;
	s5 =	simm.s32 $_tile_overlayer_lowered  }
0x9b: {  	s22 =	simm.s32 $0x1BFF;
	s21 =	sshll.u32 s5, $0x1;
	s2 =	sadd.s32 s19, s18  }
0x9c: {  	s6 =	simm.s32 $0x0;
	s20 =	sshll.u32 s4, $0x1;
	s4 =	sadd.s32 s21, s2  }
0x9d: {  	[timem:s6], [sflag:s22] =	dma.local [hbm:s4], s20  }
0x9e: {  	_ =	swait.ge [sflag:s22], s20  }
0x9f: {  	s3 =	ssub.s32 $0x0, s20;
	[sflag:s22] =	ssyncset.done $0x0  }
0xa0: {  	[sflag:s22] =	ssyncadd.s32 s3;
	_ =	sdelay $0x1  }
0xa1: {  	s23 =	simm.s32 $0x1B8B  }
0xa2: {  	_ =	swait.ge [sflag:s23], $0x1  }
0xa3: {  	[sflag:s23] =	ssyncset.done $0x0  }
0xa4: {  	s25 =	simm.s32 $0x1B8E;
	s24 =	sld [smem:$0x3FFE];
	[sflag:s23] =	ssyncadd.s32 $0xFFFFFFFF  }
0xa5: {  	s26 =	simm.s32 $execute0_lowered;
	[smem:$0x3FD2] =	sst s25  }
0xa6: {  	s4 =	sshll.u32 s26, $0x1;
	_ =	strace $0x8000004F;
	[dreg:$0x1] =	wrdreg $0xFFFFFFFF  }
0xa7: {  	s28 =	simm.s32 $_size_execute0_lowered;
	s2 =	sadd.s32 s2, s4;
	[dreg:$0x0] =	wrdreg $0x0  }
0xa8: {  	s4 =	sshll.u32 s28, $0x1;
	[dreg:$0x2] =	wrdreg s2  }
0xa9: {  	[dreg:$0x3] =	wrdreg s4  }
0xaa: {  	[dreg:$0x4] =	wrdreg $0xC0  }
0xab: {  	_ =	task [dreg:s6], $0x5FFFF  }
0xac: {  	[dreg:$0x1] =	wrdreg $0xFFFFFFFF  }
0xad: {  	[dreg:$0x0] =	wrdreg $0x60  }
0xae: {  	[dreg:$0x2] =	wrdreg s24  }
0xaf: {  	[dreg:$0x3] =	wrdreg $0x9  }
0xb0: {  	_ =	task.clear_ibuf [dreg:s6], $0x4FFFF;
	_ =	strace $0x9000004F  }
0xb1: {  	s29 =	simm.s32 $0x9;
	_ =	strace $0x80000051  }
0xb2: {  	_ =	swait.ge [sflag:s29], $0x1  }
0xb3: {  	[sflag:s29] =	ssyncadd.s32 $0xFFFFFFFF  }
0xb4: {  	_ =	strace $0x90000051  }
0xb5: {  	_ =	sfence  }
0xb6: {  	s30 =	sld [smem:$0x0];
	_ =	sdelay $0x2  }
0xb7: {  	s31 =	sshll.u32 s1, $0xD;
	s1 =	sshrl.u32 s1, $0x2  }
0xb8: {  	s3 =	sand.u32 $0x4000, s31;
	s1 =	sadd.s32 s1, s30  }
0xb9: {  	s0 =	sor.u32 s3, s0;
	s1 =	sshll.u32 s1, $0x11  }
0xba: {  	s0 =	sor.u32 s1, s0  }
0xbb: {  	s0 =	sadd.s32 $0x8F2B, s0  }
0xbc: {  	[sflag:s0] =	ssyncadd.remote.s32 $0x1  }
0xbd: {  	_ =	sfence.sel $0xFFFF  }
0xbe: {  	[dreg:$0x0] =	wrdreg $0xFFFFFFFF;
	(pc) =	sbr.abs _section_cstart, $3  }
0xbf: {  	[dreg:$0x1] =	wrdreg $0xFFFFFFFF  }
0xc0: {  	_ =	task.clear_ibuf [dreg:s6], $0x2FFFF;
	_ =	strace $0x9FFFFFFF  }
0xc1: {  	(tm) =	ssettm $0x7FFFFFFF  }
tec
execute0_lowered:
.L_overlay_start_1:
0x0: {  	(tag) =	ssettag $0x1  }
0x1: {  	s1 =	srdreg.scid  }
0x2: {  	s0 =	stileid.u32;
	s11 =	sand.u32 $0x1, s1  }
0x3: {  	s31 =	sshll.u32 s0, $0x9;
	s2 =	sshll.u32 s11, $0x8  }
0x4: {  	s10 =	rddreg [dreg:$0x0];
	s12 =	sor.u32 s2, s31  }
0x5: {  	s1 =	rddreg [dreg:$0x1];
	s2 =	simm.s32 $0x0;
	s3 =	sshrl.u32 s12, $0x3  }
0x6: {  	[smem:$0x7FF] =	sst s2;
	s3 =	sadd.s32 s3, s10  }
0x7: {  	_ =	strace $0x80000050;
	s4 =	sadd.s32 $0xA00, s3;
	s3 =	simm.s32 $0x3  }
0x8: {  	[tilespmem:s2], [sflag:$0x3] =	stream.linear.gather [hbm4b:s4+s2], $0x100, $0x38;
	[tilespmem:$0x8100] =	vst v63  }
0x9: {  	_ =	swait.ge [sflag:s3], $0x100  }
0xa: {  	s6 =	simm.s32 $0x80;
	[sflag:s3] =	ssyncset.done $0x0  }
0xb: {  	s7 =	simm.s32 $0x100;
	s5 =	sadd.s32 $0xE00, s10;
	[sflag:s3] =	ssyncadd.s32 $0xFFFFFF00  }
0xc: {  	[tilespmem:s7], [sflag:$0x1] =	stream.indirect.gather [hbm4b:s5+s6], $0x80, s2, s6, $0xb8;
	[tilespmem:$0x8100] =	vst v63  }
0xd: {  	s8 =	simm.s32 $0x4100;
	s9 =	simm.s32 $0x1  }
0xe: {  	[tilespmem:s8], [sflag:$0x2] =	stream.indirect.gather [hbm4b:s5+s6], $0x80, s6, s6, $0xb8;
	[tilespmem:$0x8100] =	vst v63  }
0xf: {  	s12 =	sshll.u32 s12, $0x4;
	_ =	swait.ge [sflag:s9], $0x4000  }
0x10: {  	s12 =	sadd.s32 s12, s10;
	[sflag:s9] =	ssyncset.done $0x0  }
0x11: {  	s13 =	ssub.s32 $0x2, s11;
	s10 =	sadd.s32 $0x40E00, s12;
	[sflag:s9] =	ssyncadd.s32 $0xFFFFC000  }
0x12: {  	[hbm4b:s10+s2] =	stream.linear.scatter [tilespmem:s7], [sflag:$0x3], $0x4000, $0x38;
	[tilespmem:$0x8100] =	vst v63  }
0x13: {  	s14 =	sshrl.u32 s13, $0x1;
	_ =	swait.ge [sflag:s3], $0x4000  }
0x14: {  	s13 =	ssub.s32 s13, s14;
	[sflag:s3] =	ssyncset.done $0x0  }
0x15: {  	s11 =	simm.s32 $0x2;
	s13 =	smax.u32 s13, $0x1;
	[sflag:s3] =	ssyncadd.s32 $0xFFFFC000  }
0x16: {  	p0 =	sne.s32 s13, $0x1;
	_ =	swait.ge [sflag:s11], $0x4000  }
.Ltmp0:
0x17: {  	[sflag:s11] =	ssyncset.done $0x0;
	(pc) =	sbr.rel @!p0 .LBB2_2-.Ltmp0, $4  }
0x18: {  	s12 =	sadd.s32 $0x41600, s12;
	[sflag:s11] =	ssyncadd.s32 $0xFFFFC000  }
0x19: {  	[hbm4b:s12+s2] =	stream.linear.scatter [tilespmem:s8], [sflag:$0x3], $0x4000, $0x38;
	[tilespmem:$0x8100] =	vst v63  }
0x1a: {  	_ =	swait.ge [sflag:s3], $0x4000  }
0x1b: {  	s13 =	sadd.s32 $0xFFFFFFFF, s13;
	[sflag:s3] =	ssyncset.done $0x0  }
.LBB2_1:
0x1c: {  	p0 =	sne.s32 s13, $0x1;
	s13 =	sadd.s32 $0xFFFFFFFF, s13;
	[sflag:s3] =	ssyncadd.s32 $0xFFFFC000  }
0x1d: {  	[tilespmem:s2], [sflag:$0x3] =	stream.linear.gather [hbm4b:s4+s2], $0x100, $0x38;
	[tilespmem:$0x8100] =	vst v63  }
0x1e: {  	_ =	swait.ge [sflag:s3], $0x100  }
0x1f: {  	[sflag:s3] =	ssyncset.done $0x0  }
0x20: {  	[sflag:s3] =	ssyncadd.s32 $0xFFFFFF00  }
0x21: {  	[tilespmem:s7], [sflag:$0x1] =	stream.indirect.gather [hbm4b:s5+s6], $0x80, s2, s6, $0xb8;
	[tilespmem:$0x8100] =	vst v63  }
0x22: {  	_ = 	snop  }
0x23: {  	[tilespmem:s8], [sflag:$0x2] =	stream.indirect.gather [hbm4b:s5+s6], $0x80, s6, s6, $0xb8;
	[tilespmem:$0x8100] =	vst v63  }
0x24: {  	_ =	swait.ge [sflag:s9], $0x4000  }
0x25: {  	[sflag:s9] =	ssyncset.done $0x0  }
0x26: {  	[sflag:s9] =	ssyncadd.s32 $0xFFFFC000  }
0x27: {  	[hbm4b:s10+s2] =	stream.linear.scatter [tilespmem:s7], [sflag:$0x3], $0x4000, $0x38;
	[tilespmem:$0x8100] =	vst v63  }
0x28: {  	_ =	swait.ge [sflag:s3], $0x4000  }
0x29: {  	[sflag:s3] =	ssyncset.done $0x0  }
0x2a: {  	[sflag:s3] =	ssyncadd.s32 $0xFFFFC000  }
0x2b: {  	_ =	swait.ge [sflag:s11], $0x4000  }
.Ltmp1:
0x2c: {  	[sflag:s11] =	ssyncset.done $0x0;
	(pc) =	sbr.rel @p0 .LBB2_1-.Ltmp1, $4  }
0x2d: {  	[sflag:s11] =	ssyncadd.s32 $0xFFFFC000  }
0x2e: {  	[hbm4b:s12+s2] =	stream.linear.scatter [tilespmem:s8], [sflag:$0x3], $0x4000, $0x38;
	[tilespmem:$0x8100] =	vst v63  }
0x2f: {  	_ =	swait.ge [sflag:s3], $0x4000  }
0x30: {  	[sflag:s3] =	ssyncset.done $0x0  }
.LBB2_2:
0x31: {  	[sflag:s3] =	ssyncadd.s32 $0xFFFFC000  }
0x32: {  	_ =	sfence.sel $0x180000  }
0x33: {  	[bflag:$0x0] =	sbarrier.arrive $0xFFFF  }
0x34: {  	p0 =	sne.s32 s0, $0x0;
	_ =	strace $0x90000050  }
0x35: {  	s0 =	sadd.s32 @!p0 $0x100000, s1;
	[bflag:$0x2] =	sbarrier.arrive $0xFFFF  }
0x36: {  	[sflag:s0] =	ssyncadd.tile.s32 @!p0 $0x1;
	_ =	shalt  }
.Lfunc_end2:
_tile_overlayer_lowered:
.L_overlay_start_2:
0x37: {  	(tag) =	ssettag $0x2  }
0x38: {  	s0 =	rddreg [dreg:$0x0];
	s2 =	stileid.u32  }
0x39: {  	s1 =	rddreg [dreg:$0x1];
	p0 =	sne.s32 s2, $0x0  }
0x3a: {  	s3 =	rddreg [dreg:$0x2];
	[bflag:$0x3] =	sbarrier.arrive $0xFFFF;
	s2 =	simm.s32 @!p0 $0x1C03  }
0x3b: {  	[timem:s3], [sflag:s2] =	dma.local @!p0 [hbm:s0], s1  }
0x3c: {  	s0 =	simm.s32 @!p0 $0x3  }
0x3d: {  	_ =	swait.ge @!p0 [sflag:s0], s1  }
0x3e: {  	s1 =	ssub.s32 @!p0 $0x0, s1;
	[sflag:s0] =	ssyncset.done @!p0 $0x0  }
0x3f: {  	[sflag:s0] =	ssyncadd.s32 @!p0 s1  }
0x40: {  	[bflag:$0x3] =	sbarrier.arrive $0xFFFF  }
0x41: {  	_ =	shalt  }

// kernel: kernel.9.cloned.1.call-start
scs
__scs_entry_jumppad:
0x0: {  	(pc) =	sbr.rel $0x88, $3  }
0x1: {  	(tag) =	ssettag $0x0;
	lr =	simm.s32 $0x1  }
0x2: {  	[smem:$0x3F94] =	sst lr;
	_ =	strace $0xD0000000  }
0x3: {  	_ = 	snop  }
0x4: {  	_ = 	snop  }
0x5: {  	_ = 	snop  }
0x6: {  	_ = 	snop  }
0x7: {  	_ = 	snop  }
__scs_overlays_trampoline_lowered:
0x8: {  	[smem:$0x3FA3] =	sst s0  }
0x9: {  	[smem:$0x3FA4] =	sst s1  }
0xa: {  	[smem:$0x3FA5] =	sst s2  }
0xb: {  	[smem:$0x3FA6] =	sst s3  }
0xc: {  	[smem:$0x3FA7] =	sst s4  }
0xd: {  	[smem:$0x3FA8] =	sst s5  }
0xe: {  	[smem:$0x3FA9] =	sst s6  }
0xf: {  	[smem:$0x3FAA] =	sst s7  }
0x10: {  	[smem:$0x3FAB] =	sst s8  }
0x11: {  	[smem:$0x3FAC] =	sst s9;
	s0 =	simm.s32 @!p0 $0x0  }
0x12: {  	s1 =	sld [smem:$0x3F92];
	s0 =	simm.s32 @p0 $0x1  }
0x13: {  	[smem:$0x3FAD] =	sst s0;
	s0 =	simm.s32 @!p1 $0x0  }
0x14: {  	s2 =	sld [smem:$0x3F91];
	s0 =	simm.s32 @p1 $0x1  }
0x15: {  	[smem:$0x3FAE] =	sst s0;
	s0 =	simm.s32 @!p2 $0x0  }
0x16: {  	s3 =	sld [smem:$0x3FDB];
	s0 =	simm.s32 @p2 $0x1  }
0x17: {  	s4 =	simm.s32 $0x1BF5;
	[smem:$0x3FB0] =	sst s0  }
0x18: {  	s0 =	sld [smem:$0x3F93];
	_ =	swait.ge [sflag:s4], $0x0  }
0x19: {  	s7 =	sld [smem:$0x3F94]  }
0x1a: {  	s8 =	sadd.s32 $0xFFFFE003, lr  }
0x1b: {  	s9 =	sadd.s32 $0xFFFFFEF7, lr;
	s5 =	simm.s32 $0xFFFFFFFF;
	p2 =	slt.u32 s8, $0xFFFFF086  }
0x1c: {  	p1 =	slt.u32 s9, $0xF7A;
	s5 =	simm.s32 @!p2 $0x0  }
0x1d: {  	s5 =	simm.s32 @p1 $0x1;
	p0 =	seq.s32 s7, s2  }
0x1e: {  	s7 =	smul.u32 @!p0 $0xF7A, s2;
	p2 =	seq.s32 @!p0 s5, $0x0  }
0x1f: {  	s9 =	smul.u32 $0xF7A, s1;
	s8 =	simm.s32 @!p0 $0x1BF5;
	p2 =	por !p2, p0  }
0x20: {  	[sflag:s8] =	ssyncset.s32 @!p0 $0xFFFFF086;
	s6 =	sadd.s32 @!p0 s3, s7;
	s7 =	simm.s32 @!p0 $0x108  }
0x21: {  	s3 =	sadd.s32 s3, s9;
	s6 =	sadd.s32 @!p0 $0x88, s6;
	s7 =	simm.s32 @p2 $0x1082  }
0x22: {  	[simem:s7], [sflag:s8] =	dma.local @!p0 [hbm:s6], $0xF7A  }
0x23: {  	s9 =	sor.u32 $0xD0000000, s2;
	s6 =	simm.s32 $0x108;
	_ =	swait.ge @!p0 [sflag:s8], $0x0  }
0x24: {  	s3 =	sadd.s32 $0x88, s3;
	s6 =	simm.s32 @!p1 $0x1082;
	[sflag:s4] =	ssyncset.s32 $0xFFFFF086  }
0x25: {  	[simem:s6], [sflag:s4] =	dma.local [hbm:s3], $0xF7A  }
0x26: {  	[smem:$0x3F94] =	sst s1;
	(tag) =	ssettag s2;
	_ =	strace s9  }
0x27: {  	s1 =	sld [smem:$0x3FA4]  }
0x28: {  	s2 =	sld [smem:$0x3FA5]  }
0x29: {  	s4 =	sld [smem:$0x3FA7]  }
0x2a: {  	p0 =	seq.s32 s5, $0x0;
	s5 =	sld [smem:$0x3FA8]  }
0x2b: {  	s6 =	sld [smem:$0x3FA9]  }
0x2c: {  	s7 =	sld [smem:$0x3FAA]  }
0x2d: {  	s3 =	simm.s32 $0x108;
	s8 =	sld [smem:$0x3FAB]  }
0x2e: {  	s3 =	simm.s32 @!p0 $0x1082;
	s9 =	sld [smem:$0x3FAC]  }
0x2f: {  	lr =	sadd.s32 s0, s3;
	s0 =	sld [smem:$0x3FA3]  }
0x30: {  	s3 =	sld [smem:$0x3FA6]  }
0x31: {  	[smem:$0x3FAF] =	sst s10  }
0x32: {  	s10 =	sld [smem:$0x3FAD];
	_ =	sdelay $0x3  }
0x33: {  	p0 =	seq.s32 s10, $0x1;
	s10 =	sld [smem:$0x3FAF];
	_ =	sdelay $0x3  }
0x34: {  	[smem:$0x3FAF] =	sst s10  }
0x35: {  	s10 =	sld [smem:$0x3FAE];
	_ =	sdelay $0x3  }
0x36: {  	p1 =	seq.s32 s10, $0x1;
	s10 =	sld [smem:$0x3FAF];
	_ =	sdelay $0x3  }
0x37: {  	[smem:$0x3FAF] =	sst s10  }
0x38: {  	s10 =	sld [smem:$0x3FB0]  }
0x39: {  	_ = 	snop;
	(pc) =	sbr.ind lr, $3  }
0x3a: {  	_ = 	snop  }
0x3b: {  	_ = 	snop  }
0x3c: {  	p2 =	seq.s32 s10, $0x1;
	s10 =	sld [smem:$0x3FAF]  }
0x3d: {  	_ =	shalt  }
0x3e: {  	_ =	shalt  }
0x3f: {  	_ =	shalt  }
0x40: {  	_ =	shalt  }
0x41: {  	_ =	shalt  }
0x42: {  	_ =	shalt  }
0x43: {  	_ =	shalt  }
0x44: {  	_ =	shalt  }
0x45: {  	_ =	shalt  }
0x46: {  	_ =	shalt  }
0x47: {  	_ =	shalt  }
0x48: {  	_ =	shalt  }
0x49: {  	_ =	shalt  }
0x4a: {  	_ =	shalt  }
0x4b: {  	_ =	shalt  }
0x4c: {  	_ =	shalt  }
0x4d: {  	_ =	shalt  }
0x4e: {  	_ =	shalt  }
0x4f: {  	_ =	shalt  }
0x50: {  	_ =	shalt  }
0x51: {  	_ =	shalt  }
0x52: {  	_ =	shalt  }
0x53: {  	_ =	shalt  }
0x54: {  	_ =	shalt  }
0x55: {  	_ =	shalt  }
0x56: {  	_ =	shalt  }
0x57: {  	_ =	shalt  }
0x58: {  	_ =	shalt  }
0x59: {  	_ =	shalt  }
0x5a: {  	_ =	shalt  }
0x5b: {  	_ =	shalt  }
0x5c: {  	_ =	shalt  }
0x5d: {  	_ =	shalt  }
0x5e: {  	_ =	shalt  }
0x5f: {  	_ =	shalt  }
0x60: {  	_ =	shalt  }
0x61: {  	_ =	shalt  }
0x62: {  	_ =	shalt  }
0x63: {  	_ =	shalt  }
0x64: {  	_ =	shalt  }
0x65: {  	_ =	shalt  }
0x66: {  	_ =	shalt  }
0x67: {  	_ =	shalt  }
0x68: {  	_ =	shalt  }
0x69: {  	_ =	shalt  }
0x6a: {  	_ =	shalt  }
0x6b: {  	_ =	shalt  }
0x6c: {  	_ =	shalt  }
0x6d: {  	_ =	shalt  }
0x6e: {  	_ =	shalt  }
0x6f: {  	_ =	shalt  }
0x70: {  	_ =	shalt  }
0x71: {  	_ =	shalt  }
0x72: {  	_ =	shalt  }
0x73: {  	_ =	shalt  }
0x74: {  	_ =	shalt  }
0x75: {  	_ =	shalt  }
0x76: {  	_ =	shalt  }
0x77: {  	_ =	shalt  }
0x78: {  	_ =	shalt  }
0x79: {  	_ =	shalt  }
0x7a: {  	_ =	shalt  }
0x7b: {  	_ =	shalt  }
0x7c: {  	_ =	shalt  }
0x7d: {  	_ =	shalt  }
0x7e: {  	_ =	shalt  }
0x7f: {  	_ =	shalt  }
0x80: {  	_ =	shalt  }
0x81: {  	_ =	shalt  }
0x82: {  	_ =	shalt  }
0x83: {  	_ =	shalt  }
0x84: {  	_ =	shalt  }
0x85: {  	_ =	shalt  }
0x86: {  	_ =	shalt  }
0x87: {  	_ =	shalt  }
.Lfunc_end0:
.L_simem_size_0:
called_computation.2_lowered:
.L_overlay_start_0:
0x88: {  	s2 =	sld [smem:$0x3FD9]  }
0x89: {  	s3 =	sld [smem:$0x3FFE];
	_ =	sdelay $0x1  }
0x8a: {  	s1 =	srdreg.scid  }
0x8b: {  	s0 =	sand.u32 $0x1, s1  }
0x8c: {  	s17 =	sshll.u32 s0, $0xA;
	s2 =	sadd.s32 s3, s2  }
0x8d: {  	s2 =	sadd.s32 s2, s17  }
0x8e: {  	[smem:$0x3FBB] =	sst s2  }
0x8f: {  	_ = 	snop  }
0x90: {  	(tm) =	ssettm $0x1  }
0x91: {  	s18 =	sld [smem:$0x3FFB];
	_ =	sdelay $0x3  }
0x92: {  	_ =	strace s18  }
0x93: {  	s2 =	sld [smem:$0x3FFC];
	_ =	sdelay $0x3  }
0x94: {  	_ =	strace s2  }
0x95: {  	s2 =	sld [smem:$0x3FFD];
	_ =	sdelay $0x3  }
0x96: {  	_ =	strace s2  }
0x97: {  	_ =	strace $0x8FFFFFFF  }
0x98: {  	s19 =	sld [smem:$0x3FDB];
	_ =	sdelay $0x1  }
0x99: {  	s20 =	simm.s32 $_scs_section_size  }
0x9a: {  	s4 =	simm.s32 $_size__tile_overlayer_lowered;
	s5 =	simm.s32 $_tile_overlayer_lowered  }
0x9b: {  	s6 =	simm.s32 $0x1BFF;
	s21 =	sshll.u32 s5, $0x1;
	s3 =	sadd.s32 s20, s19  }
0x9c: {  	s22 =	simm.s32 $0x0;
	s4 =	sshll.u32 s4, $0x1;
	s5 =	sadd.s32 s21, s3  }
0x9d: {  	[timem:s22], [sflag:s6] =	dma.local [hbm:s5], s4  }
0x9e: {  	_ =	swait.ge [sflag:s6], s4  }
0x9f: {  	s4 =	ssub.s32 $0x0, s4;
	[sflag:s6] =	ssyncset.done $0x0  }
0xa0: {  	[sflag:s6] =	ssyncadd.s32 s4;
	_ =	sdelay $0x1  }
0xa1: {  	s23 =	simm.s32 $0x1B8B  }
0xa2: {  	_ =	swait.ge [sflag:s23], $0x1  }
0xa3: {  	[sflag:s23] =	ssyncset.done $0x0  }
0xa4: {  	[sflag:s23] =	ssyncadd.s32 $0xFFFFFFFF  }
0xa5: {  	s4 =	sld [smem:$0x0]  }
0xa6: {  	s5 =	sand.u32 $0xFFFFFFFE, s1  }
0xa7: {  	p0 =	sne.s32 s1, s5  }
0xa8: {  	s5 =	sshll.u32 @p0 s5, $0xE  }
0xa9: {  	s5 =	sadd.s32 @p0 $0x11B8D, s5;
	s6 =	sshll.u32 @p0 s4, $0x11  }
0xaa: {  	s5 =	sor.u32 @p0 s6, s5  }
0xab: {  	[sflag:s5] =	ssyncadd.remote.s32 @p0 $0x1;
	_ =	sdelay $0x1  }
0xac: {  	s5 =	simm.s32 @p0 $0x1B8D  }
0xad: {  	_ =	swait.eq @p0 [sflag:s5], $0x1  }
0xae: {  	[sflag:s5] =	ssyncadd.s32 @p0 $0xFFFFFFFF  }
0xaf: {  	s6 =	sshll.u32 @!p0 s1, $0xE  }
0xb0: {  	s6 =	sor.u32 @!p0 $0x4000, s6;
	s5 =	simm.s32 @!p0 $0x1B8D  }
0xb1: {  	s4 =	sshll.u32 @!p0 s4, $0x11;
	s6 =	sadd.s32 @!p0 $0x11B8D, s6;
	_ =	swait.eq @!p0 [sflag:s5], $0x1  }
0xb2: {  	s4 =	sor.u32 @!p0 s4, s6;
	[sflag:s5] =	ssyncadd.s32 @!p0 $0xFFFFFFFF  }
0xb3: {  	s25 =	simm.s32 $0x1B8E;
	s24 =	sld [smem:$0x3FFE];
	[sflag:s4] =	ssyncadd.remote.s32 @!p0 $0x1  }
0xb4: {  	s26 =	simm.s32 $execute0_lowered;
	[smem:$0x3FD2] =	sst s25  }
0xb5: {  	s5 =	sshll.u32 s26, $0x1;
	_ =	strace $0x8000004C;
	[dreg:$0x1] =	wrdreg $0xFFFFFFFF  }
0xb6: {  	s28 =	simm.s32 $_size_execute0_lowered;
	s3 =	sadd.s32 s3, s5;
	[dreg:$0x0] =	wrdreg $0x0  }
0xb7: {  	s5 =	sshll.u32 s28, $0x1;
	[dreg:$0x2] =	wrdreg s3  }
0xb8: {  	[dreg:$0x3] =	wrdreg s5  }
0xb9: {  	[dreg:$0x4] =	wrdreg $0xC0  }
0xba: {  	_ =	task [dreg:s22], $0x5FFFF  }
0xbb: {  	[dreg:$0x1] =	wrdreg $0xFFFFFFFF  }
0xbc: {  	[dreg:$0x0] =	wrdreg $0x60  }
0xbd: {  	[dreg:$0x2] =	wrdreg s24  }
0xbe: {  	[dreg:$0x3] =	wrdreg $0xB  }
0xbf: {  	_ =	task.clear_ibuf [dreg:s22], $0x4FFFF;
	_ =	strace $0x9000004C  }
0xc0: {  	s29 =	simm.s32 $0xB;
	_ =	strace $0x8000004E  }
0xc1: {  	_ =	swait.ge [sflag:s29], $0x1  }
0xc2: {  	[sflag:s29] =	ssyncadd.s32 $0xFFFFFFFF  }
0xc3: {  	_ =	strace $0x9000004E  }
0xc4: {  	_ =	sfence  }
0xc5: {  	s30 =	sld [smem:$0x0];
	_ =	sdelay $0x2  }
0xc6: {  	s31 =	sshll.u32 s1, $0xD;
	s1 =	sshrl.u32 s1, $0x2  }
0xc7: {  	s4 =	sand.u32 $0x4000, s31;
	s1 =	sadd.s32 s1, s30  }
0xc8: {  	s0 =	sor.u32 s4, s0;
	s1 =	sshll.u32 s1, $0x11  }
0xc9: {  	s0 =	sor.u32 s1, s0  }
0xca: {  	s0 =	sadd.s32 $0x8F2B, s0  }
0xcb: {  	[sflag:s0] =	ssyncadd.remote.s32 $0x1  }
0xcc: {  	_ =	sfence.sel $0xFFFF  }
0xcd: {  	[dreg:$0x0] =	wrdreg $0xFFFFFFFF;
	(pc) =	sbr.abs _section_cstart, $3  }
0xce: {  	[dreg:$0x1] =	wrdreg $0xFFFFFFFF  }
0xcf: {  	_ =	task.clear_ibuf [dreg:s22], $0x2FFFF;
	_ =	strace $0x9FFFFFFF  }
0xd0: {  	(tm) =	ssettm $0x7FFFFFFF  }
0xd1: {  	_ =	shalt  }
tec
execute0_lowered:
.L_overlay_start_1:
0x0: {  	(tag) =	ssettag $0x1  }
0x1: {  	s4 =	rddreg [dreg:$0x0];
	s2 =	simm.s32 $0x0  }
0x2: {  	s1 =	srdreg.scid;
	s14 =	simm.s32 $0x900;
	[smem:$0x7FF] =	sst s2  }
0x3: {  	s15 =	simm.s32 $0x1100;
	_ =	strace $0x8000004D;
	[dreg:$0x8] =	wrdreg s14  }
0x4: {  	s0 =	stileid.u32;
	s16 =	simm.s32 $0x1900;
	[dreg:$0x9] =	wrdreg s15  }
0x5: {  	s17 =	simm.s32 $0x2100;
	s18 =	simm.s32 $0x2900;
	[dreg:$0xa] =	wrdreg s16  }
0x6: {  	s19 =	simm.s32 $0x3100;
	s20 =	simm.s32 $0x3900;
	[dreg:$0xb] =	wrdreg s17  }
0x7: {  	s21 =	simm.s32 $0x4100;
	s22 =	simm.s32 $0x4900;
	[dreg:$0xc] =	wrdreg s18  }
0x8: {  	s24 =	simm.s32 $0x5100;
	s25 =	simm.s32 $0x5900;
	[dreg:$0xd] =	wrdreg s19  }
0x9: {  	s26 =	simm.s32 $0x6100;
	s28 =	simm.s32 $0x1;
	[dreg:$0xe] =	wrdreg s20  }
0xa: {  	s29 =	simm.s32 $0x2;
	s30 =	simm.s32 $0x80;
	[dreg:$0xf] =	wrdreg s21  }
0xb: {  	s31 =	simm.s32 $0x10100;
	s1 =	sand.u32 $0x1, s1;
	[dreg:$0x10] =	wrdreg s22  }
0xc: {  	s3 =	sshll.u32 s0, $0x9;
	s7 =	sadd.s32 $0x86600, s4;
	[dreg:$0x11] =	wrdreg s24  }
0xd: {  	s10 =	sadd.s32 $0x66600, s4;
	s5 =	sshll.u32 s1, $0x8;
	[dreg:$0x12] =	wrdreg s25  }
0xe: {  	s1 =	ssub.s32 $0x2, s1;
	[dreg:$0x13] =	wrdreg s26;
	s14 =	simm.s32 $0x9900  }
0xf: {  	s15 =	simm.s32 $0xA100;
	s16 =	simm.s32 $0xA900;
	s17 =	simm.s32 $0xB100  }
0x10: {  	s18 =	simm.s32 $0xB900;
	s19 =	simm.s32 $0xC100;
	s20 =	simm.s32 $0xC900  }
0x11: {  	s21 =	simm.s32 $0xD100;
	s22 =	simm.s32 $0xD900;
	s24 =	simm.s32 $0xE900  }
0x12: {  	s25 =	simm.s32 $0xF100;
	s26 =	simm.s32 $0xF900;
	s3 =	sor.u32 s5, s3  }
0x13: {  	s23 =	sshrl.u32 s1, $0x1;
	s5 =	sshrl.u32 s3, $0x3;
	s9 =	sshll.u32 s3, $0x5  }
0x14: {  	s3 =	sshll.u32 s3, $0x4;
	s1 =	ssub.s32 s1, s23;
	s23 =	simm.s32 $0xE100  }
0x15: {  	s6 =	sadd.s32 s5, s4;
	s5 =	sor.u32 $0x10, s5;
	s11 =	sadd.s32 s7, s9  }
0x16: {  	s3 =	sadd.s32 s10, s3;
	s9 =	simm.s32 $0x7100;
	s8 =	sadd.s32 $0xE00, s6  }
0x17: {  	s12 =	sshll.u32 s5, $0x8;
	[dreg:$0x3] =	wrdreg s11;
	s6 =	sadd.s32 $0x1200, s6  }
0x18: {  	s5 =	sshll.u32 s5, $0x7;
	[dreg:$0x6] =	wrdreg s3;
	s3 =	sadd.s32 $0x6200, s4  }
0x19: {  	s4 =	sadd.s32 $0x46200, s4;
	s11 =	simm.s32 $0x8100;
	[dreg:$0x2] =	wrdreg s8  }
0x1a: {  	s7 =	sadd.s32 s7, s12;
	[dreg:$0x5] =	wrdreg s6;
	s13 =	sadd.s32 s10, s5  }
0x1b: {  	v2 =	vlaneseq.u32;
	s5 =	smax.u32 s1, $0x1;
	s6 =	simm.s32 $0x3;
	s10 =	simm.s32 $0x7900  }
0x1c: {  	vm0 =	vmmov $0xffff;
	v1 =	vshrl.u32 v2, $0x3;
	s12 =	simm.s32 $0x8900;
	s1 =	simm.s32 $0x14100;
	[dreg:$0x4] =	wrdreg s7  }
0x1d: {  	v0 =	vand.u32 $0x7, v2;
	v2 =	vor.u32 $0x8, v2;
	v1 =	vmul.u32 $0x8, v1;
	[dreg:$0x7] =	wrdreg s13;
	s7 =	simm.s32 $0x100;
	s13 =	simm.s32 $0x9100  }
.LBB2_1:
0x1e: {  	s0 =	rddreg [dreg:$0x2]  }
0x1f: {  	[tilespmem:s2], [sflag:$0x3] =	stream.linear.gather [hbm4b:s0+s2], $0x100, $0x38;
	[tilespmem:$0x18100] =	vst v63  }
0x20: {  	_ =	swait.ge [sflag:s6], $0x100  }
0x21: {  	[sflag:s6] =	ssyncset.done $0x0  }
0x22: {  	[sflag:s6] =	ssyncadd.s32 $0xFFFFFF00  }
0x23: {  	v3 =	vld [tilespmem:$0x0];
	_ =	sdelay $0x4  }
0x24: {  	v4 =	vshll.u32 v3, $0x1  }
0x25: {  	v3 =	vand.u32 $0x7, v3;
	v4 =	vand.u32 $0xFFFFFFF0, v4  }
0x26: {  	v3 =	vor.u32 v3, v4  }
0x27: {  	v4 =	vperm.xlane v3, v0;
	_ =	sdelay $0x1  }
0x28: {  	v3 =	vperm.xlane v3, v2;
	v4 =	vadd.s32 v1, v4;
	_ =	sdelay $0x1  }
0x29: {  	v3 =	vadd.s32 v1, v3;
	_ =	sdelay $0x2  }
0x2a: {  	[tilespmem:s7], [sflag:$0x1] =	stream.indirect_vreg.gather [hbm4b:s3+s2], $0x80, v4, vm0, $0xb8;
	[tilespmem:$0x18100] =	vst v63  }
0x2b: {  	s8 =	rddreg [dreg:$0x8]  }
0x2c: {  	[tilespmem:s8], [sflag:$0x1] =	stream.indirect_vreg.gather [hbm4b:s3+s2], $0x80, v3, vm0, $0xb8;
	[tilespmem:$0x18100] =	vst v63  }
0x2d: {  	v3 =	vld [tilespmem:$0x10];
	_ =	sdelay $0x4  }
0x2e: {  	v49 =	vshll.u32 v3, $0x1  }
0x2f: {  	v3 =	vand.u32 $0x7, v3;
	v4 =	vand.u32 $0xFFFFFFF0, v49  }
0x30: {  	v3 =	vor.u32 v3, v4  }
0x31: {  	v4 =	vperm.xlane v3, v0;
	_ =	sdelay $0x1  }
0x32: {  	v3 =	vperm.xlane v3, v2;
	v4 =	vadd.s32 v1, v4;
	_ =	sdelay $0x1  }
0x33: {  	v3 =	vadd.s32 v1, v3;
	_ =	sdelay $0x1  }
0x34: {  	s0 =	rddreg [dreg:$0x9]  }
0x35: {  	[tilespmem:s0], [sflag:$0x1] =	stream.indirect_vreg.gather [hbm4b:s3+s2], $0x80, v4, vm0, $0xb8;
	[tilespmem:$0x18100] =	vst v63  }
0x36: {  	s8 =	rddreg [dreg:$0xa]  }
0x37: {  	[tilespmem:s8], [sflag:$0x1] =	stream.indirect_vreg.gather [hbm4b:s3+s2], $0x80, v3, vm0, $0xb8;
	[tilespmem:$0x18100] =	vst v63  }
0x38: {  	v3 =	vld [tilespmem:$0x20];
	_ =	sdelay $0x4  }
0x39: {  	v50 =	vshll.u32 v3, $0x1  }
0x3a: {  	v3 =	vand.u32 $0x7, v3;
	v4 =	vand.u32 $0xFFFFFFF0, v50  }
0x3b: {  	v3 =	vor.u32 v3, v4  }
0x3c: {  	v4 =	vperm.xlane v3, v0;
	_ =	sdelay $0x1  }
0x3d: {  	v3 =	vperm.xlane v3, v2;
	v4 =	vadd.s32 v1, v4;
	_ =	sdelay $0x1  }
0x3e: {  	v3 =	vadd.s32 v1, v3;
	_ =	sdelay $0x1  }
0x3f: {  	s0 =	rddreg [dreg:$0xb]  }
0x40: {  	[tilespmem:s0], [sflag:$0x1] =	stream.indirect_vreg.gather [hbm4b:s3+s2], $0x80, v4, vm0, $0xb8;
	[tilespmem:$0x18100] =	vst v63  }
0x41: {  	s8 =	rddreg [dreg:$0xc]  }
0x42: {  	[tilespmem:s8], [sflag:$0x1] =	stream.indirect_vreg.gather [hbm4b:s3+s2], $0x80, v3, vm0, $0xb8;
	[tilespmem:$0x18100] =	vst v63  }
0x43: {  	v3 =	vld [tilespmem:$0x30];
	_ =	sdelay $0x4  }
0x44: {  	v51 =	vshll.u32 v3, $0x1  }
0x45: {  	v3 =	vand.u32 $0x7, v3;
	v4 =	vand.u32 $0xFFFFFFF0, v51  }
0x46: {  	v3 =	vor.u32 v3, v4  }
0x47: {  	v4 =	vperm.xlane v3, v0;
	_ =	sdelay $0x1  }
0x48: {  	v3 =	vperm.xlane v3, v2;
	v4 =	vadd.s32 v1, v4;
	_ =	sdelay $0x1  }
0x49: {  	v3 =	vadd.s32 v1, v3;
	_ =	sdelay $0x1  }
0x4a: {  	s0 =	rddreg [dreg:$0xd]  }
0x4b: {  	[tilespmem:s0], [sflag:$0x1] =	stream.indirect_vreg.gather [hbm4b:s3+s2], $0x80, v4, vm0, $0xb8;
	[tilespmem:$0x18100] =	vst v63  }
0x4c: {  	s8 =	rddreg [dreg:$0xe]  }
0x4d: {  	[tilespmem:s8], [sflag:$0x1] =	stream.indirect_vreg.gather [hbm4b:s3+s2], $0x80, v3, vm0, $0xb8;
	[tilespmem:$0x18100] =	vst v63  }
0x4e: {  	v3 =	vld [tilespmem:$0x40];
	_ =	sdelay $0x4  }
0x4f: {  	v52 =	vshll.u32 v3, $0x1  }
0x50: {  	v3 =	vand.u32 $0x7, v3;
	v4 =	vand.u32 $0xFFFFFFF0, v52  }
0x51: {  	v3 =	vor.u32 v3, v4  }
0x52: {  	v4 =	vperm.xlane v3, v0;
	_ =	sdelay $0x1  }
0x53: {  	v3 =	vperm.xlane v3, v2;
	v4 =	vadd.s32 v1, v4;
	_ =	sdelay $0x1  }
0x54: {  	v3 =	vadd.s32 v1, v3;
	_ =	sdelay $0x1  }
0x55: {  	s0 =	rddreg [dreg:$0xf]  }
0x56: {  	[tilespmem:s0], [sflag:$0x1] =	stream.indirect_vreg.gather [hbm4b:s3+s2], $0x80, v4, vm0, $0xb8;
	[tilespmem:$0x18100] =	vst v63  }
0x57: {  	s8 =	rddreg [dreg:$0x10]  }
0x58: {  	[tilespmem:s8], [sflag:$0x1] =	stream.indirect_vreg.gather [hbm4b:s3+s2], $0x80, v3, vm0, $0xb8;
	[tilespmem:$0x18100] =	vst v63  }
0x59: {  	v3 =	vld [tilespmem:$0x50];
	_ =	sdelay $0x4  }
0x5a: {  	v53 =	vshll.u32 v3, $0x1  }
0x5b: {  	v3 =	vand.u32 $0x7, v3;
	v4 =	vand.u32 $0xFFFFFFF0, v53  }
0x5c: {  	v3 =	vor.u32 v3, v4  }
0x5d: {  	v4 =	vperm.xlane v3, v0;
	_ =	sdelay $0x1  }
0x5e: {  	v3 =	vperm.xlane v3, v2;
	v4 =	vadd.s32 v1, v4;
	_ =	sdelay $0x1  }
0x5f: {  	v3 =	vadd.s32 v1, v3;
	_ =	sdelay $0x1  }
0x60: {  	s0 =	rddreg [dreg:$0x11]  }
0x61: {  	[tilespmem:s0], [sflag:$0x1] =	stream.indirect_vreg.gather [hbm4b:s3+s2], $0x80, v4, vm0, $0xb8;
	[tilespmem:$0x18100] =	vst v63  }
0x62: {  	s8 =	rddreg [dreg:$0x12]  }
0x63: {  	[tilespmem:s8], [sflag:$0x1] =	stream.indirect_vreg.gather [hbm4b:s3+s2], $0x80, v3, vm0, $0xb8;
	[tilespmem:$0x18100] =	vst v63  }
0x64: {  	v3 =	vld [tilespmem:$0x60];
	_ =	sdelay $0x4  }
0x65: {  	v54 =	vshll.u32 v3, $0x1  }
0x66: {  	v3 =	vand.u32 $0x7, v3;
	v4 =	vand.u32 $0xFFFFFFF0, v54  }
0x67: {  	v3 =	vor.u32 v3, v4  }
0x68: {  	v4 =	vperm.xlane v3, v0;
	_ =	sdelay $0x1  }
0x69: {  	v3 =	vperm.xlane v3, v2;
	v4 =	vadd.s32 v1, v4;
	_ =	sdelay $0x1  }
0x6a: {  	v3 =	vadd.s32 v1, v3;
	_ =	sdelay $0x1  }
0x6b: {  	s8 =	rddreg [dreg:$0x13]  }
0x6c: {  	[tilespmem:s8], [sflag:$0x1] =	stream.indirect_vreg.gather [hbm4b:s3+s2], $0x80, v4, vm0, $0xb8;
	[tilespmem:$0x18100] =	vst v63  }
0x6d: {  	s8 =	simm.s32 $0x6900  }
0x6e: {  	[tilespmem:s8], [sflag:$0x1] =	stream.indirect_vreg.gather [hbm4b:s3+s2], $0x80, v3, vm0, $0xb8;
	[tilespmem:$0x18100] =	vst v63  }
0x6f: {  	v3 =	vld [tilespmem:$0x70];
	_ =	sdelay $0x4  }
0x70: {  	v55 =	vshll.u32 v3, $0x1  }
0x71: {  	v3 =	vand.u32 $0x7, v3;
	v4 =	vand.u32 $0xFFFFFFF0, v55  }
0x72: {  	v3 =	vor.u32 v3, v4  }
0x73: {  	v4 =	vperm.xlane v3, v0;
	_ =	sdelay $0x1  }
0x74: {  	v3 =	vperm.xlane v3, v2;
	v4 =	vadd.s32 v1, v4;
	_ =	sdelay $0x1  }
0x75: {  	v3 =	vadd.s32 v1, v3;
	_ =	sdelay $0x2  }
0x76: {  	[tilespmem:s9], [sflag:$0x1] =	stream.indirect_vreg.gather [hbm4b:s3+s2], $0x80, v4, vm0, $0xb8;
	[tilespmem:$0x18100] =	vst v63  }
0x77: {  	_ = 	snop  }
0x78: {  	[tilespmem:s10], [sflag:$0x1] =	stream.indirect_vreg.gather [hbm4b:s3+s2], $0x80, v3, vm0, $0xb8;
	[tilespmem:$0x18100] =	vst v63  }
0x79: {  	v3 =	vld [tilespmem:$0x80];
	_ =	sdelay $0x4  }
0x7a: {  	v56 =	vshll.u32 v3, $0x1  }
0x7b: {  	v3 =	vand.u32 $0x7, v3;
	v4 =	vand.u32 $0xFFFFFFF0, v56  }
0x7c: {  	v3 =	vor.u32 v3, v4  }
0x7d: {  	v4 =	vperm.xlane v3, v0;
	_ =	sdelay $0x1  }
0x7e: {  	v3 =	vperm.xlane v3, v2;
	v4 =	vadd.s32 v1, v4;
	_ =	sdelay $0x1  }
0x7f: {  	v3 =	vadd.s32 v1, v3;
	_ =	sdelay $0x2  }
0x80: {  	[tilespmem:s11], [sflag:$0x2] =	stream.indirect_vreg.gather [hbm4b:s3+s2], $0x80, v4, vm0, $0xb8;
	[tilespmem:$0x18100] =	vst v63  }
0x81: {  	_ = 	snop  }
0x82: {  	[tilespmem:s12], [sflag:$0x2] =	stream.indirect_vreg.gather [hbm4b:s3+s2], $0x80, v3, vm0, $0xb8;
	[tilespmem:$0x18100] =	vst v63  }
0x83: {  	v3 =	vld [tilespmem:$0x90];
	_ =	sdelay $0x4  }
0x84: {  	v57 =	vshll.u32 v3, $0x1  }
0x85: {  	v3 =	vand.u32 $0x7, v3;
	v4 =	vand.u32 $0xFFFFFFF0, v57  }
0x86: {  	v3 =	vor.u32 v3, v4  }
0x87: {  	v4 =	vperm.xlane v3, v0;
	_ =	sdelay $0x1  }
0x88: {  	v3 =	vperm.xlane v3, v2;
	v4 =	vadd.s32 v1, v4;
	_ =	sdelay $0x1  }
0x89: {  	v3 =	vadd.s32 v1, v3;
	_ =	sdelay $0x2  }
0x8a: {  	[tilespmem:s13], [sflag:$0x2] =	stream.indirect_vreg.gather [hbm4b:s3+s2], $0x80, v4, vm0, $0xb8;
	[tilespmem:$0x18100] =	vst v63  }
0x8b: {  	_ = 	snop  }
0x8c: {  	[tilespmem:s14], [sflag:$0x2] =	stream.indirect_vreg.gather [hbm4b:s3+s2], $0x80, v3, vm0, $0xb8;
	[tilespmem:$0x18100] =	vst v63  }
0x8d: {  	v3 =	vld [tilespmem:$0xA0];
	_ =	sdelay $0x4  }
0x8e: {  	v58 =	vshll.u32 v3, $0x1  }
0x8f: {  	v3 =	vand.u32 $0x7, v3;
	v4 =	vand.u32 $0xFFFFFFF0, v58  }
0x90: {  	v3 =	vor.u32 v3, v4  }
0x91: {  	v4 =	vperm.xlane v3, v0;
	_ =	sdelay $0x1  }
0x92: {  	v3 =	vperm.xlane v3, v2;
	v4 =	vadd.s32 v1, v4;
	_ =	sdelay $0x1  }
0x93: {  	v3 =	vadd.s32 v1, v3;
	_ =	sdelay $0x2  }
0x94: {  	[tilespmem:s15], [sflag:$0x2] =	stream.indirect_vreg.gather [hbm4b:s3+s2], $0x80, v4, vm0, $0xb8;
	[tilespmem:$0x18100] =	vst v63  }
0x95: {  	_ = 	snop  }
0x96: {  	[tilespmem:s16], [sflag:$0x2] =	stream.indirect_vreg.gather [hbm4b:s3+s2], $0x80, v3, vm0, $0xb8;
	[tilespmem:$0x18100] =	vst v63  }
0x97: {  	v3 =	vld [tilespmem:$0xB0];
	_ =	sdelay $0x4  }
0x98: {  	v59 =	vshll.u32 v3, $0x1  }
0x99: {  	v3 =	vand.u32 $0x7, v3;
	v4 =	vand.u32 $0xFFFFFFF0, v59  }
0x9a: {  	v3 =	vor.u32 v3, v4  }
0x9b: {  	v4 =	vperm.xlane v3, v0;
	_ =	sdelay $0x1  }
0x9c: {  	v3 =	vperm.xlane v3, v2;
	v4 =	vadd.s32 v1, v4;
	_ =	sdelay $0x1  }
0x9d: {  	v3 =	vadd.s32 v1, v3;
	_ =	sdelay $0x2  }
0x9e: {  	[tilespmem:s17], [sflag:$0x2] =	stream.indirect_vreg.gather [hbm4b:s3+s2], $0x80, v4, vm0, $0xb8;
	[tilespmem:$0x18100] =	vst v63  }
0x9f: {  	_ = 	snop  }
0xa0: {  	[tilespmem:s18], [sflag:$0x2] =	stream.indirect_vreg.gather [hbm4b:s3+s2], $0x80, v3, vm0, $0xb8;
	[tilespmem:$0x18100] =	vst v63  }
0xa1: {  	v3 =	vld [tilespmem:$0xC0];
	_ =	sdelay $0x4  }
0xa2: {  	v60 =	vshll.u32 v3, $0x1  }
0xa3: {  	v3 =	vand.u32 $0x7, v3;
	v4 =	vand.u32 $0xFFFFFFF0, v60  }
0xa4: {  	v3 =	vor.u32 v3, v4  }
0xa5: {  	v4 =	vperm.xlane v3, v0;
	_ =	sdelay $0x1  }
0xa6: {  	v3 =	vperm.xlane v3, v2;
	v4 =	vadd.s32 v1, v4;
	_ =	sdelay $0x1  }
0xa7: {  	v3 =	vadd.s32 v1, v3;
	_ =	sdelay $0x2  }
0xa8: {  	[tilespmem:s19], [sflag:$0x2] =	stream.indirect_vreg.gather [hbm4b:s3+s2], $0x80, v4, vm0, $0xb8;
	[tilespmem:$0x18100] =	vst v63  }
0xa9: {  	_ = 	snop  }
0xaa: {  	[tilespmem:s20], [sflag:$0x2] =	stream.indirect_vreg.gather [hbm4b:s3+s2], $0x80, v3, vm0, $0xb8;
	[tilespmem:$0x18100] =	vst v63  }
0xab: {  	v3 =	vld [tilespmem:$0xD0];
	_ =	sdelay $0x4  }
0xac: {  	v61 =	vshll.u32 v3, $0x1  }
0xad: {  	v3 =	vand.u32 $0x7, v3;
	v4 =	vand.u32 $0xFFFFFFF0, v61  }
0xae: {  	v3 =	vor.u32 v3, v4  }
0xaf: {  	v4 =	vperm.xlane v3, v0;
	_ =	sdelay $0x1  }
0xb0: {  	v3 =	vperm.xlane v3, v2;
	v4 =	vadd.s32 v1, v4;
	_ =	sdelay $0x1  }
0xb1: {  	v3 =	vadd.s32 v1, v3;
	_ =	sdelay $0x2  }
0xb2: {  	[tilespmem:s21], [sflag:$0x2] =	stream.indirect_vreg.gather [hbm4b:s3+s2], $0x80, v4, vm0, $0xb8;
	[tilespmem:$0x18100] =	vst v63  }
0xb3: {  	_ = 	snop  }
0xb4: {  	[tilespmem:s22], [sflag:$0x2] =	stream.indirect_vreg.gather [hbm4b:s3+s2], $0x80, v3, vm0, $0xb8;
	[tilespmem:$0x18100] =	vst v63  }
0xb5: {  	v3 =	vld [tilespmem:$0xE0];
	_ =	sdelay $0x4  }
0xb6: {  	v62 =	vshll.u32 v3, $0x1  }
0xb7: {  	v3 =	vand.u32 $0x7, v3;
	v4 =	vand.u32 $0xFFFFFFF0, v62  }
0xb8: {  	v3 =	vor.u32 v3, v4  }
0xb9: {  	v4 =	vperm.xlane v3, v0;
	_ =	sdelay $0x1  }
0xba: {  	v3 =	vperm.xlane v3, v2;
	v4 =	vadd.s32 v1, v4;
	_ =	sdelay $0x1  }
0xbb: {  	v3 =	vadd.s32 v1, v3;
	_ =	sdelay $0x2  }
0xbc: {  	[tilespmem:s23], [sflag:$0x2] =	stream.indirect_vreg.gather [hbm4b:s3+s2], $0x80, v4, vm0, $0xb8;
	[tilespmem:$0x18100] =	vst v63  }
0xbd: {  	_ = 	snop  }
0xbe: {  	[tilespmem:s24], [sflag:$0x2] =	stream.indirect_vreg.gather [hbm4b:s3+s2], $0x80, v3, vm0, $0xb8;
	[tilespmem:$0x18100] =	vst v63  }
0xbf: {  	v3 =	vld [tilespmem:$0xF0];
	_ =	sdelay $0x4  }
0xc0: {  	v63 =	vshll.u32 v3, $0x1  }
0xc1: {  	v3 =	vand.u32 $0x7, v3;
	v4 =	vand.u32 $0xFFFFFFF0, v63  }
0xc2: {  	v3 =	vor.u32 v3, v4  }
0xc3: {  	v4 =	vperm.xlane v3, v0;
	_ =	sdelay $0x1  }
0xc4: {  	v3 =	vperm.xlane v3, v2;
	v4 =	vadd.s32 v1, v4;
	_ =	sdelay $0x1  }
0xc5: {  	v3 =	vadd.s32 v1, v3;
	_ =	sdelay $0x2  }
0xc6: {  	[tilespmem:s25], [sflag:$0x2] =	stream.indirect_vreg.gather [hbm4b:s3+s2], $0x80, v4, vm0, $0xb8;
	[tilespmem:$0x18100] =	vst v63  }
0xc7: {  	_ = 	snop  }
0xc8: {  	[tilespmem:s26], [sflag:$0x2] =	stream.indirect_vreg.gather [hbm4b:s3+s2], $0x80, v3, vm0, $0xb8;
	[tilespmem:$0x18100] =	vst v63  }
0xc9: {  	_ =	swait.ge [sflag:s28], $0x8000  }
0xca: {  	[sflag:s28] =	ssyncset.done $0x0  }
0xcb: {  	s8 =	rddreg [dreg:$0x3];
	[sflag:s28] =	ssyncadd.s32 $0xFFFF8000  }
0xcc: {  	[hbm4b:s8+s2] =	stream.linear.scatter [tilespmem:s7], [sflag:$0x3], $0x8000, $0x38;
	[tilespmem:$0x18100] =	vst v63  }
0xcd: {  	_ =	swait.ge [sflag:s6], $0x8000  }
0xce: {  	[sflag:s6] =	ssyncset.done $0x0  }
0xcf: {  	[sflag:s6] =	ssyncadd.s32 $0xFFFF8000  }
0xd0: {  	_ =	swait.ge [sflag:s29], $0x8000  }
0xd1: {  	[sflag:s29] =	ssyncset.done $0x0  }
0xd2: {  	s8 =	rddreg [dreg:$0x4];
	[sflag:s29] =	ssyncadd.s32 $0xFFFF8000  }
0xd3: {  	[hbm4b:s8+s2] =	stream.linear.scatter [tilespmem:s11], [sflag:$0x3], $0x8000, $0x38;
	[tilespmem:$0x18100] =	vst v63  }
0xd4: {  	_ =	swait.ge [sflag:s6], $0x8000  }
0xd5: {  	[sflag:s6] =	ssyncset.done $0x0  }
0xd6: {  	s8 =	rddreg [dreg:$0x5];
	[sflag:s6] =	ssyncadd.s32 $0xFFFF8000  }
0xd7: {  	[tilespmem:s2], [sflag:$0x3] =	stream.linear.gather [hbm4b:s8+s2], $0x100, $0x38;
	[tilespmem:$0x18100] =	vst v63  }
0xd8: {  	_ =	swait.ge [sflag:s6], $0x100  }
0xd9: {  	[sflag:s6] =	ssyncset.done $0x0  }
0xda: {  	[sflag:s6] =	ssyncadd.s32 $0xFFFFFF00  }
0xdb: {  	[tilespmem:s31], [sflag:$0x1] =	stream.indirect.gather [hbm4b:s4+s30], $0x80, s2, s30, $0xb8;
	[tilespmem:$0x18100] =	vst v63  }
0xdc: {  	_ = 	snop  }
0xdd: {  	[tilespmem:s1], [sflag:$0x2] =	stream.indirect.gather [hbm4b:s4+s30], $0x80, s30, s30, $0xb8;
	[tilespmem:$0x18100] =	vst v63  }
0xde: {  	_ =	swait.ge [sflag:s28], $0x4000  }
0xdf: {  	[sflag:s28] =	ssyncset.done $0x0  }
0xe0: {  	s8 =	rddreg [dreg:$0x6];
	[sflag:s28] =	ssyncadd.s32 $0xFFFFC000  }
0xe1: {  	[hbm4b:s8+s2] =	stream.linear.scatter [tilespmem:s31], [sflag:$0x3], $0x4000, $0x38;
	[tilespmem:$0x18100] =	vst v63  }
0xe2: {  	_ =	swait.ge [sflag:s6], $0x4000  }
0xe3: {  	[sflag:s6] =	ssyncset.done $0x0  }
0xe4: {  	[sflag:s6] =	ssyncadd.s32 $0xFFFFC000  }
0xe5: {  	_ =	swait.ge [sflag:s29], $0x4000  }
0xe6: {  	p0 =	sne.s32 s5, $0x1;
	[sflag:s29] =	ssyncset.done $0x0  }
.Ltmp0:
0xe7: {  	s8 =	rddreg [dreg:$0x7];
	[sflag:s29] =	ssyncadd.s32 $0xFFFFC000;
	(pc) =	sbr.rel @p0 .LBB2_1-.Ltmp0, $4  }
0xe8: {  	[hbm4b:s8+s2] =	stream.linear.scatter [tilespmem:s1], [sflag:$0x3], $0x4000, $0x38;
	[tilespmem:$0x18100] =	vst v63  }
0xe9: {  	_ =	swait.ge [sflag:s6], $0x4000  }
0xea: {  	[sflag:s6] =	ssyncset.done $0x0  }
0xeb: {  	s5 =	sadd.s32 $0xFFFFFFFF, s5;
	[sflag:s6] =	ssyncadd.s32 $0xFFFFC000  }
0xec: {  	_ =	sfence.sel $0x180000  }
0xed: {  	[bflag:$0x0] =	sbarrier.arrive $0xFFFF  }
0xee: {  	_ =	strace $0x9000004D  }
0xef: {  	s0 =	stileid.u32;
	[bflag:$0x2] =	sbarrier.arrive $0xFFFF  }
0xf0: {  	p0 =	sne.s32 s0, $0x0;
	s0 =	rddreg [dreg:$0x1]  }
0xf1: {  	s0 =	sadd.s32 @!p0 $0x100000, s0  }
0xf2: {  	[sflag:s0] =	ssyncadd.tile.s32 @!p0 $0x1;
	_ =	shalt  }
.Lfunc_end2:
_tile_overlayer_lowered:
.L_overlay_start_2:
0xf3: {  	(tag) =	ssettag $0x2  }
0xf4: {  	s0 =	rddreg [dreg:$0x0];
	s2 =	stileid.u32  }
0xf5: {  	s1 =	rddreg [dreg:$0x1];
	p0 =	sne.s32 s2, $0x0  }
0xf6: {  	s3 =	rddreg [dreg:$0x2];
	[bflag:$0x3] =	sbarrier.arrive $0xFFFF;
	s2 =	simm.s32 @!p0 $0x1C03  }
0xf7: {  	[timem:s3], [sflag:s2] =	dma.local @!p0 [hbm:s0], s1  }
0xf8: {  	s0 =	simm.s32 @!p0 $0x3  }
0xf9: {  	_ =	swait.ge @!p0 [sflag:s0], s1  }
0xfa: {  	s1 =	ssub.s32 @!p0 $0x0, s1;
	[sflag:s0] =	ssyncset.done @!p0 $0x0  }
0xfb: {  	[sflag:s0] =	ssyncadd.s32 @!p0 s1  }
0xfc: {  	[bflag:$0x3] =	sbarrier.arrive $0xFFFF  }
0xfd: {  	_ =	shalt  }

</sc_bundles>
